<compile_context>
chip_gen: v7x
topology: tpu7x:2x2x1
jax: 0.10.2.dev20260603
libtpu: 0.0.44.dev20260713+nightly
codegen_flags: <defaults>
</compile_context>

<pallas_src>
import functools

import jax
import jax.numpy as jnp
from jax import lax
from jax.experimental import pallas as pl
from jax.experimental.pallas import tpu as pltpu
from jax.experimental.pallas import tpu_sc as plsc

MAX_REL_POS = 128
NUM_UNITS = 64
NVOC = 2 * MAX_REL_POS + 1

B, LQ, LK = 8, 32, 2048
N_ROWS = B * LQ * LK
NC, NS = 2, 16
NW = NC * NS
ROWS_PER_W = N_ROWS // NW
CHUNK = 512
NCHUNK = ROWS_PER_W // CHUNK
TPC = CHUNK // 16


def _sc_body(pq_hbm, pk_hbm, table_hbm, out_hbm,
             pq_v, pk_v, table_v, rows_v, sem_out):
    wid = lax.axis_index("s") * NC + lax.axis_index("c")
    pltpu.sync_copy(pq_hbm, pq_v)
    pltpu.sync_copy(pk_hbm, pk_v)
    pltpu.sync_copy(table_hbm, table_v)
    lane = lax.iota(jnp.int32, 16)

    def chunk_body(c, carry):
        buf = c % 2
        g0 = wid * ROWS_PER_W + c * CHUNK
        bi = g0 // LK
        b = bi // LQ
        j0 = g0 % LK
        pq_b = pq_v[bi, :]

        @pl.when(c >= 2)
        def _():
            pltpu.make_async_copy(
                rows_v.at[0], out_hbm.at[pl.ds(0, CHUNK)], sem_out).wait()

        def t_body(t, carry2):
            kv = pk_v[pl.ds(b * LK + j0 + t * 16, 16)]
            d = kv - pq_b
            d = jnp.minimum(jnp.maximum(d, -MAX_REL_POS), MAX_REL_POS)
            a16 = (d + MAX_REL_POS) * NUM_UNITS
            RB = 4
            for r in range(0, 16, RB):
                bases = [jnp.full((16,), a16[r + q], jnp.int32)
                         for q in range(RB)]
                vs = [plsc.load_gather(table_v, [bases[q] + (lane + f0)])
                      for q in range(RB)
                      for f0 in range(0, NUM_UNITS, 16)]
                u = 0
                for q in range(RB):
                    for f0 in range(0, NUM_UNITS, 16):
                        rows_v[buf, t * 16 + r + q, pl.ds(f0, 16)] = vs[u]
                        u += 1
            return carry2

        lax.fori_loop(0, TPC, t_body, 0)
        pltpu.make_async_copy(
            rows_v.at[buf], out_hbm.at[pl.ds(g0, CHUNK)], sem_out).start()
        return carry

    lax.fori_loop(0, NCHUNK, chunk_body, 0)
    pltpu.make_async_copy(
        rows_v.at[0], out_hbm.at[pl.ds(0, CHUNK)], sem_out).wait()
    pltpu.make_async_copy(
        rows_v.at[0], out_hbm.at[pl.ds(0, CHUNK)], sem_out).wait()


@functools.partial(
    pl.kernel,
    mesh=plsc.VectorSubcoreMesh(core_axis_name="c", subcore_axis_name="s"),
    out_type=jax.ShapeDtypeStruct((N_ROWS, NUM_UNITS), jnp.float32),
    scratch_types=[
        pltpu.VMEM((B * LQ, 16), jnp.int32),
        pltpu.VMEM((B * LK,), jnp.int32),
        pltpu.VMEM((NVOC * NUM_UNITS,), jnp.float32),
        pltpu.VMEM((2, CHUNK, NUM_UNITS), jnp.float32),
        pltpu.SemaphoreType.DMA,
    ],
    compiler_params=pltpu.CompilerParams(
        use_tc_tiling_on_sc=False, needs_layout_passes=False),
)
def _sc_call(pq_hbm, pk_hbm, table_hbm, out_hbm,
             pq_v, pk_v, table_v, rows_v, sem_out):
    _sc_body(pq_hbm, pk_hbm, table_hbm, out_hbm,
             pq_v, pk_v, table_v, rows_v, sem_out)


def kernel(position_q, position_k, embeddings_table):
    pq = jnp.broadcast_to(
        position_q.reshape(-1, 1).astype(jnp.int32), (B * LQ, 16))
    pk = position_k.reshape(-1).astype(jnp.int32)
    tab = embeddings_table.reshape(-1)
    out = _sc_call(pq, pk, tab)
    return out.reshape(B, LQ, LK, NUM_UNITS)

# --- scband reference (transcript-rebuilt; emitter-appended) ---
"""Pipeline reference for scband-full-sequencial-relative-position-3186865733697 (READ-ONLY COPY).

The authoritative reference and input builder live on the scoring server;
editing this copy changes nothing except your own understanding.
"""

import jax, jax.numpy as jnp
import numpy as np

MAX_REL_POS = 128
NUM_UNITS = 64

def setup_inputs(seed: int = 0) -> dict:
    key = jax.random.key(seed)
    k1, k2, k3 = jax.random.split(key, 3)
    position_q = jax.random.randint(k1, (8, 32), 0, 2048).astype(jnp.int64)
    position_k = jax.random.randint(k2, (8, 2048), 0, 2048).astype(jnp.int64)
    # xavier_uniform init for embeddings_table [2*max_rel_pos+1, num_units]
    fan_in, fan_out = 2 * MAX_REL_POS + 1, NUM_UNITS
    limit = float(np.sqrt(6.0 / (fan_in + fan_out)))
    embeddings_table = jax.random.uniform(k3, (2 * MAX_REL_POS + 1, NUM_UNITS), minval=-limit, maxval=limit, dtype=jnp.float32)
    return {"position_q": position_q, "position_k": position_k, "embeddings_table": embeddings_table}

def reference(position_q, position_k, embeddings_table):
    # distance_mat[b, i, j] = position_k[b, j] - position_q[b, i]
    distance_mat = position_k[:, None, :] - position_q[:, :, None]
    distance_mat_clipped = jnp.clip(distance_mat, -MAX_REL_POS, MAX_REL_POS)
    final_mat = (distance_mat_clipped + MAX_REL_POS).astype(jnp.int32)
    embeddings = jnp.take(embeddings_table, final_mat, axis=0)
    return embeddings

if __name__ == "__main__":
    import jax
    _d = setup_inputs()
    print(jax.jit(kernel)(*tuple(_d.values())))

</pallas_src>

<mosaic_0001>
#map = affine_map<(d0, d1) -> (0, 0)>
#map1 = affine_map<(d0, d1) -> (0)>
module attributes {stable_mosaic.version = 14 : i64} {
  func.func @_sc_call(%arg0: i32, %arg1: i32, %arg2: memref<256x16xi32, #tpu.memory_space<hbm>>, %arg3: memref<16384xi32, #tpu.memory_space<hbm>>, %arg4: memref<16448xf32, #tpu.memory_space<hbm>>, %arg5: memref<524288x64xf32, #tpu.memory_space<hbm>>, %arg6: memref<256x16xi32, #tpu.memory_space<vmem>>, %arg7: memref<16384xi32, #tpu.memory_space<vmem>>, %arg8: memref<16448xf32, #tpu.memory_space<vmem>>, %arg9: memref<2x512x64xf32, #tpu.memory_space<vmem>>, %arg10: memref<!tpu.dma_semaphore, #tpu.memory_space<semaphore_mem>>) attributes {dimension_semantics = [#tpu.dimension_semantics<core_parallel>, #tpu.dimension_semantics<subcore_parallel>], iteration_bounds = array<i64: 2, 16>, scalar_prefetch = 0 : i64, scratch_operands = 5 : i64, tpu.core_type = #tpu.core_type<sc_vector_subcore>, window_params = [{transform_indices = #map}, {transform_indices = #map1}, {transform_indices = #map1}, {transform_indices = #map}]} {
    %mul3A = arith.constant 2 : i32
    %mul3A_0 = arith.muli %arg1, %mul3A : i32
    %add3A = arith.addi %mul3A_0, %arg0 : i32
    "tpu.region"() ({
      %run_scoped3A = tpu.sem_alloc : memref<!tpu.dma_semaphore, #tpu.memory_space<semaphore_mem>>
      tpu.enqueue_dma source(%arg2 : memref<256x16xi32, #tpu.memory_space<hbm>>) target(%arg6 : memref<256x16xi32, #tpu.memory_space<vmem>>) target_semaphore(%run_scoped3A : memref<!tpu.dma_semaphore, #tpu.memory_space<semaphore_mem>>)
      tpu.wait_dma2 semaphore(%run_scoped3A : memref<!tpu.dma_semaphore, #tpu.memory_space<semaphore_mem>>) src(%arg2 : memref<256x16xi32, #tpu.memory_space<hbm>>) dst(%arg6 : memref<256x16xi32, #tpu.memory_space<vmem>>)
      tpu.yield
    }) : () -> ()
    "tpu.region"() ({
      %run_scoped3A = tpu.sem_alloc : memref<!tpu.dma_semaphore, #tpu.memory_space<semaphore_mem>>
      tpu.enqueue_dma source(%arg3 : memref<16384xi32, #tpu.memory_space<hbm>>) target(%arg7 : memref<16384xi32, #tpu.memory_space<vmem>>) target_semaphore(%run_scoped3A : memref<!tpu.dma_semaphore, #tpu.memory_space<semaphore_mem>>)
      tpu.wait_dma2 semaphore(%run_scoped3A : memref<!tpu.dma_semaphore, #tpu.memory_space<semaphore_mem>>) src(%arg3 : memref<16384xi32, #tpu.memory_space<hbm>>) dst(%arg7 : memref<16384xi32, #tpu.memory_space<vmem>>)
      tpu.yield
    }) : () -> ()
    "tpu.region"() ({
      %run_scoped3A = tpu.sem_alloc : memref<!tpu.dma_semaphore, #tpu.memory_space<semaphore_mem>>
      tpu.enqueue_dma source(%arg4 : memref<16448xf32, #tpu.memory_space<hbm>>) target(%arg8 : memref<16448xf32, #tpu.memory_space<vmem>>) target_semaphore(%run_scoped3A : memref<!tpu.dma_semaphore, #tpu.memory_space<semaphore_mem>>)
      tpu.wait_dma2 semaphore(%run_scoped3A : memref<!tpu.dma_semaphore, #tpu.memory_space<semaphore_mem>>) src(%arg4 : memref<16448xf32, #tpu.memory_space<hbm>>) dst(%arg8 : memref<16448xf32, #tpu.memory_space<vmem>>)
      tpu.yield
    }) : () -> ()
    %iota3A = tpu.iota {dimensions = array<i32: 0>} : vector<16xi32>
    %scan3A = arith.constant 0 : i32
    %scan3A_1 = arith.constant 0 : i32
    %scan3A_2 = arith.constant 32 : i32
    %scan3A_3 = arith.addi %scan3A_1, %scan3A_2 : i32
    %scan3A_4 = arith.constant 1 : i32
    scf.for %scan3A_35 = %scan3A_1 to %scan3A_3 step %scan3A_4  : i32 {
      %jit3A = arith.constant 2 : i32
      %eq3A = arith.constant 0 : i32
      %eq3A_36 = arith.cmpi eq, %jit3A, %eq3A : i32
      %jit3A_37 = arith.constant 1 : i32
      %select_n3A = arith.select %eq3A_36, %jit3A_37, %jit3A : i32
      %rem3A = arith.remsi %scan3A_35, %select_n3A : i32
      %ne3A = arith.constant 0 : i32
      %ne3A_38 = arith.cmpi ne, %rem3A, %ne3A : i32
      %lt3A = arith.constant 0 : i32
      %lt3A_39 = arith.cmpi slt, %rem3A, %lt3A : i32
      %lt3A_40 = arith.constant 0 : i32
      %lt3A_41 = arith.cmpi slt, %select_n3A, %lt3A_40 : i32
      %ne3A_42 = arith.xori %lt3A_39, %lt3A_41 : i1
      %and3A = arith.andi %ne3A_42, %ne3A_38 : i1
      %add3A_43 = arith.addi %rem3A, %select_n3A : i32
      %select_n3A_44 = arith.select %and3A, %add3A_43, %rem3A : i32
      %mul3A_45 = arith.constant 16384 : i32
      %mul3A_46 = arith.muli %add3A, %mul3A_45 : i32
      %mul3A_47 = arith.constant 512 : i32
      %mul3A_48 = arith.muli %scan3A_35, %mul3A_47 : i32
      %add3A_49 = arith.addi %mul3A_46, %mul3A_48 : i32
      %jit3A_50 = arith.constant 2048 : i32
      %div3A = arith.divsi %add3A_49, %jit3A_50 : i32
      %sign3A = arith.constant 0 : i32
      %sign3A_51 = arith.cmpi sgt, %add3A_49, %sign3A : i32
      %sign3A_52 = arith.extui %sign3A_51 : i1 to i32
      %sign3A_53 = arith.constant 0 : i32
      %sign3A_54 = arith.cmpi slt, %add3A_49, %sign3A_53 : i32
      %sign3A_55 = arith.extui %sign3A_54 : i1 to i32
      %sign3A_56 = arith.subi %sign3A_52, %sign3A_55 : i32
      %sign3A_57 = arith.constant 0 : i32
      %sign3A_58 = arith.cmpi sgt, %jit3A_50, %sign3A_57 : i32
      %sign3A_59 = arith.extui %sign3A_58 : i1 to i32
      %sign3A_60 = arith.constant 0 : i32
      %sign3A_61 = arith.cmpi slt, %jit3A_50, %sign3A_60 : i32
      %sign3A_62 = arith.extui %sign3A_61 : i1 to i32
      %sign3A_63 = arith.subi %sign3A_59, %sign3A_62 : i32
      %ne3A_64 = arith.cmpi ne, %sign3A_56, %sign3A_63 : i32
      %rem3A_65 = arith.remsi %add3A_49, %jit3A_50 : i32
      %ne3A_66 = arith.constant 0 : i32
      %ne3A_67 = arith.cmpi ne, %rem3A_65, %ne3A_66 : i32
      %and3A_68 = arith.andi %ne3A_64, %ne3A_67 : i1
      %sub3A = arith.constant 1 : i32
      %sub3A_69 = arith.subi %div3A, %sub3A : i32
      %select_n3A_70 = arith.select %and3A_68, %sub3A_69, %div3A : i32
      %jit3A_71 = arith.constant 32 : i32
      %div3A_72 = arith.divsi %select_n3A_70, %jit3A_71 : i32
      %sign3A_73 = arith.constant 0 : i32
      %sign3A_74 = arith.cmpi sgt, %select_n3A_70, %sign3A_73 : i32
      %sign3A_75 = arith.extui %sign3A_74 : i1 to i32
      %sign3A_76 = arith.constant 0 : i32
      %sign3A_77 = arith.cmpi slt, %select_n3A_70, %sign3A_76 : i32
      %sign3A_78 = arith.extui %sign3A_77 : i1 to i32
      %sign3A_79 = arith.subi %sign3A_75, %sign3A_78 : i32
      %sign3A_80 = arith.constant 0 : i32
      %sign3A_81 = arith.cmpi sgt, %jit3A_71, %sign3A_80 : i32
      %sign3A_82 = arith.extui %sign3A_81 : i1 to i32
      %sign3A_83 = arith.constant 0 : i32
      %sign3A_84 = arith.cmpi slt, %jit3A_71, %sign3A_83 : i32
      %sign3A_85 = arith.extui %sign3A_84 : i1 to i32
      %sign3A_86 = arith.subi %sign3A_82, %sign3A_85 : i32
      %ne3A_87 = arith.cmpi ne, %sign3A_79, %sign3A_86 : i32
      %rem3A_88 = arith.remsi %select_n3A_70, %jit3A_71 : i32
      %ne3A_89 = arith.constant 0 : i32
      %ne3A_90 = arith.cmpi ne, %rem3A_88, %ne3A_89 : i32
      %and3A_91 = arith.andi %ne3A_87, %ne3A_90 : i1
      %sub3A_92 = arith.constant 1 : i32
      %sub3A_93 = arith.subi %div3A_72, %sub3A_92 : i32
      %select_n3A_94 = arith.select %and3A_91, %sub3A_93, %div3A_72 : i32
      %jit3A_95 = arith.constant 2048 : i32
      %eq3A_96 = arith.constant 0 : i32
      %eq3A_97 = arith.cmpi eq, %jit3A_95, %eq3A_96 : i32
      %jit3A_98 = arith.constant 1 : i32
      %select_n3A_99 = arith.select %eq3A_97, %jit3A_98, %jit3A_95 : i32
      %rem3A_100 = arith.remsi %add3A_49, %select_n3A_99 : i32
      %ne3A_101 = arith.constant 0 : i32
      %ne3A_102 = arith.cmpi ne, %rem3A_100, %ne3A_101 : i32
      %lt3A_103 = arith.constant 0 : i32
      %lt3A_104 = arith.cmpi slt, %rem3A_100, %lt3A_103 : i32
      %lt3A_105 = arith.constant 0 : i32
      %lt3A_106 = arith.cmpi slt, %select_n3A_99, %lt3A_105 : i32
      %ne3A_107 = arith.xori %lt3A_104, %lt3A_106 : i1
      %and3A_108 = arith.andi %ne3A_107, %ne3A_102 : i1
      %add3A_109 = arith.addi %rem3A_100, %select_n3A_99 : i32
      %select_n3A_110 = arith.select %and3A_108, %add3A_109, %rem3A_100 : i32
      %get3A = arith.index_cast %select_n3A_70 : i32 to index
      %get3A_111 = arith.constant 0 : index
      %get3A_112 = tpu.vector_load %arg6[%get3A, %get3A_111] {strides = array<i32>} : memref<256x16xi32, #tpu.memory_space<vmem>>, vector<16xi32>,
      %ge3A = arith.constant 2 : i32
      %ge3A_113 = arith.cmpi sge, %scan3A_35, %ge3A : i32
      %convert_element_type3A = arith.extui %ge3A_113 : i1 to i32
      %cond3A = arith.constant 0 : i32
      %cond3A_114 = arith.cmpi ne, %convert_element_type3A, %cond3A : i32
      scf.if %cond3A_114 {
        %dma_wait3A_132 = arith.constant 0 : i32
        %dma_wait3A_133 = arith.constant 0 : i32
        %dma_wait3A_134 = arith.constant 0 : i32
        %dma_wait3A_135 = tpu.memref_slice %arg9[%dma_wait3A_132, %dma_wait3A_133, %dma_wait3A_134] : memref<2x512x64xf32, #tpu.memory_space<vmem>> -> memref<1x512x64xf32, #tpu.memory_space<vmem>>
        %dma_wait3A_136 = tpu.memref_squeeze %dma_wait3A_135 : memref<1x512x64xf32, #tpu.memory_space<vmem>> -> memref<512x64xf32, #tpu.memory_space<vmem>>
        %dma_wait3A_137 = arith.constant 0 : i32
        %dma_wait3A_138 = arith.constant 0 : i32
        %dma_wait3A_139 = tpu.memref_slice %arg5[%dma_wait3A_137, %dma_wait3A_138] : memref<524288x64xf32, #tpu.memory_space<hbm>> -> memref<512x64xf32, #tpu.memory_space<hbm>>
        %dma_wait3A_140 = arith.constant 0 : i32
        %dma_wait3A_141 = arith.constant 0 : i32
        %dma_wait3A_142 = tpu.memref_slice %arg5[%dma_wait3A_140, %dma_wait3A_141] : memref<524288x64xf32, #tpu.memory_space<hbm>> -> memref<512x64xf32, #tpu.memory_space<hbm>>
        %dma_wait3A_143 = arith.constant 0 : i32
        %dma_wait3A_144 = arith.constant 0 : i32
        %dma_wait3A_145 = tpu.memref_slice %arg9[%dma_wait3A_132, %dma_wait3A_143, %dma_wait3A_144] : memref<2x512x64xf32, #tpu.memory_space<vmem>> -> memref<1x512x64xf32, #tpu.memory_space<vmem>>
        %dma_wait3A_146 = tpu.memref_squeeze %dma_wait3A_145 : memref<1x512x64xf32, #tpu.memory_space<vmem>> -> memref<512x64xf32, #tpu.memory_space<vmem>>
        tpu.wait_dma2 semaphore(%arg10 : memref<!tpu.dma_semaphore, #tpu.memory_space<semaphore_mem>>) src(%dma_wait3A_146 : memref<512x64xf32, #tpu.memory_space<vmem>>) dst(%dma_wait3A_142 : memref<512x64xf32, #tpu.memory_space<hbm>>)
      } else {
      }
      %scan3A_115 = arith.constant 0 : i32
      %scan3A_116 = arith.constant 0 : i32
      %scan3A_117 = arith.constant 32 : i32
      %scan3A_118 = arith.addi %scan3A_116, %scan3A_117 : i32
      %scan3A_119 = arith.constant 1 : i32
      scf.for %scan3A_132 = %scan3A_116 to %scan3A_118 step %scan3A_119  : i32 {
        %mul3A_133 = arith.constant 2048 : i32
        %mul3A_134 = arith.muli %select_n3A_94, %mul3A_133 : i32
        %add3A_135 = arith.addi %mul3A_134, %select_n3A_110 : i32
        %mul3A_136 = arith.constant 16 : i32
        %mul3A_137 = arith.muli %scan3A_132, %mul3A_136 : i32
        %add3A_138 = arith.addi %add3A_135, %mul3A_137 : i32
        %get3A_139 = arith.index_cast %add3A_138 : i32 to index
        %get3A_140 = tpu.vector_load %arg7[%get3A_139] {strides = array<i32>} : memref<16384xi32, #tpu.memory_space<vmem>>, vector<16xi32>,
        %sub3A_141 = arith.subi %get3A_140, %get3A_112 : vector<16xi32>
        %max3A = arith.constant -128 : i32
        %max3A_142 = vector.broadcast %max3A : i32 to vector<16xi32>
        %max3A_143 = arith.maxsi %sub3A_141, %max3A_142 : vector<16xi32>
        %min3A = arith.constant 128 : i32
        %min3A_144 = vector.broadcast %min3A : i32 to vector<16xi32>
        %min3A_145 = arith.minsi %max3A_143, %min3A_144 : vector<16xi32>
        %add3A_146 = arith.constant 128 : i32
        %add3A_147 = vector.broadcast %add3A_146 : i32 to vector<16xi32>
        %add3A_148 = arith.addi %min3A_145, %add3A_147 : vector<16xi32>
        %mul3A_149 = arith.constant 64 : i32
        %mul3A_150 = vector.broadcast %mul3A_149 : i32 to vector<16xi32>
        %mul3A_151 = arith.muli %add3A_148, %mul3A_150 : vector<16xi32>
        %slice3A = vector.extract_strided_slice %mul3A_151 {offsets = [0], sizes = [1], strides = [1]} : vector<16xi32> to vector<1xi32>
        %squeeze3A = vector.extract %slice3A[0] : i32 from vector<1xi32>
        %broadcast_in_dim3A = vector.broadcast %squeeze3A : i32 to vector<16xi32>
        %slice3A_152 = vector.extract_strided_slice %mul3A_151 {offsets = [1], sizes = [1], strides = [1]} : vector<16xi32> to vector<1xi32>
        %squeeze3A_153 = vector.extract %slice3A_152[0] : i32 from vector<1xi32>
        %broadcast_in_dim3A_154 = vector.broadcast %squeeze3A_153 : i32 to vector<16xi32>
        %slice3A_155 = vector.extract_strided_slice %mul3A_151 {offsets = [2], sizes = [1], strides = [1]} : vector<16xi32> to vector<1xi32>
        %squeeze3A_156 = vector.extract %slice3A_155[0] : i32 from vector<1xi32>
        %broadcast_in_dim3A_157 = vector.broadcast %squeeze3A_156 : i32 to vector<16xi32>
        %slice3A_158 = vector.extract_strided_slice %mul3A_151 {offsets = [3], sizes = [1], strides = [1]} : vector<16xi32> to vector<1xi32>
        %squeeze3A_159 = vector.extract %slice3A_158[0] : i32 from vector<1xi32>
        %broadcast_in_dim3A_160 = vector.broadcast %squeeze3A_159 : i32 to vector<16xi32>
        %add3A_161 = arith.constant 0 : i32
        %add3A_162 = vector.broadcast %add3A_161 : i32 to vector<16xi32>
        %add3A_163 = arith.addi %iota3A, %add3A_162 : vector<16xi32>
        %add3A_164 = arith.addi %broadcast_in_dim3A, %add3A_163 : vector<16xi32>
        %gather3A = tpu.vector_load_idx %arg8[%add3A_164] : memref<16448xf32, #tpu.memory_space<vmem>>[vector<16xi32>], vector<16xf32>,
        %add3A_165 = arith.constant 16 : i32
        %add3A_166 = vector.broadcast %add3A_165 : i32 to vector<16xi32>
        %add3A_167 = arith.addi %iota3A, %add3A_166 : vector<16xi32>
        %add3A_168 = arith.addi %broadcast_in_dim3A, %add3A_167 : vector<16xi32>
        %gather3A_169 = tpu.vector_load_idx %arg8[%add3A_168] : memref<16448xf32, #tpu.memory_space<vmem>>[vector<16xi32>], vector<16xf32>,
        %add3A_170 = arith.constant 32 : i32
        %add3A_171 = vector.broadcast %add3A_170 : i32 to vector<16xi32>
        %add3A_172 = arith.addi %iota3A, %add3A_171 : vector<16xi32>
        %add3A_173 = arith.addi %broadcast_in_dim3A, %add3A_172 : vector<16xi32>
        %gather3A_174 = tpu.vector_load_idx %arg8[%add3A_173] : memref<16448xf32, #tpu.memory_space<vmem>>[vector<16xi32>], vector<16xf32>,
        %add3A_175 = arith.constant 48 : i32
        %add3A_176 = vector.broadcast %add3A_175 : i32 to vector<16xi32>
        %add3A_177 = arith.addi %iota3A, %add3A_176 : vector<16xi32>
        %add3A_178 = arith.addi %broadcast_in_dim3A, %add3A_177 : vector<16xi32>
        %gather3A_179 = tpu.vector_load_idx %arg8[%add3A_178] : memref<16448xf32, #tpu.memory_space<vmem>>[vector<16xi32>], vector<16xf32>,
        %add3A_180 = arith.constant 0 : i32
        %add3A_181 = vector.broadcast %add3A_180 : i32 to vector<16xi32>
        %add3A_182 = arith.addi %iota3A, %add3A_181 : vector<16xi32>
        %add3A_183 = arith.addi %broadcast_in_dim3A_154, %add3A_182 : vector<16xi32>
        %gather3A_184 = tpu.vector_load_idx %arg8[%add3A_183] : memref<16448xf32, #tpu.memory_space<vmem>>[vector<16xi32>], vector<16xf32>,
        %add3A_185 = arith.constant 16 : i32
        %add3A_186 = vector.broadcast %add3A_185 : i32 to vector<16xi32>
        %add3A_187 = arith.addi %iota3A, %add3A_186 : vector<16xi32>
        %add3A_188 = arith.addi %broadcast_in_dim3A_154, %add3A_187 : vector<16xi32>
        %gather3A_189 = tpu.vector_load_idx %arg8[%add3A_188] : memref<16448xf32, #tpu.memory_space<vmem>>[vector<16xi32>], vector<16xf32>,
        %add3A_190 = arith.constant 32 : i32
        %add3A_191 = vector.broadcast %add3A_190 : i32 to vector<16xi32>
        %add3A_192 = arith.addi %iota3A, %add3A_191 : vector<16xi32>
        %add3A_193 = arith.addi %broadcast_in_dim3A_154, %add3A_192 : vector<16xi32>
        %gather3A_194 = tpu.vector_load_idx %arg8[%add3A_193] : memref<16448xf32, #tpu.memory_space<vmem>>[vector<16xi32>], vector<16xf32>,
        %add3A_195 = arith.constant 48 : i32
        %add3A_196 = vector.broadcast %add3A_195 : i32 to vector<16xi32>
        %add3A_197 = arith.addi %iota3A, %add3A_196 : vector<16xi32>
        %add3A_198 = arith.addi %broadcast_in_dim3A_154, %add3A_197 : vector<16xi32>
        %gather3A_199 = tpu.vector_load_idx %arg8[%add3A_198] : memref<16448xf32, #tpu.memory_space<vmem>>[vector<16xi32>], vector<16xf32>,
        %add3A_200 = arith.constant 0 : i32
        %add3A_201 = vector.broadcast %add3A_200 : i32 to vector<16xi32>
        %add3A_202 = arith.addi %iota3A, %add3A_201 : vector<16xi32>
        %add3A_203 = arith.addi %broadcast_in_dim3A_157, %add3A_202 : vector<16xi32>
        %gather3A_204 = tpu.vector_load_idx %arg8[%add3A_203] : memref<16448xf32, #tpu.memory_space<vmem>>[vector<16xi32>], vector<16xf32>,
        %add3A_205 = arith.constant 16 : i32
        %add3A_206 = vector.broadcast %add3A_205 : i32 to vector<16xi32>
        %add3A_207 = arith.addi %iota3A, %add3A_206 : vector<16xi32>
        %add3A_208 = arith.addi %broadcast_in_dim3A_157, %add3A_207 : vector<16xi32>
        %gather3A_209 = tpu.vector_load_idx %arg8[%add3A_208] : memref<16448xf32, #tpu.memory_space<vmem>>[vector<16xi32>], vector<16xf32>,
        %add3A_210 = arith.constant 32 : i32
        %add3A_211 = vector.broadcast %add3A_210 : i32 to vector<16xi32>
        %add3A_212 = arith.addi %iota3A, %add3A_211 : vector<16xi32>
        %add3A_213 = arith.addi %broadcast_in_dim3A_157, %add3A_212 : vector<16xi32>
        %gather3A_214 = tpu.vector_load_idx %arg8[%add3A_213] : memref<16448xf32, #tpu.memory_space<vmem>>[vector<16xi32>], vector<16xf32>,
        %add3A_215 = arith.constant 48 : i32
        %add3A_216 = vector.broadcast %add3A_215 : i32 to vector<16xi32>
        %add3A_217 = arith.addi %iota3A, %add3A_216 : vector<16xi32>
        %add3A_218 = arith.addi %broadcast_in_dim3A_157, %add3A_217 : vector<16xi32>
        %gather3A_219 = tpu.vector_load_idx %arg8[%add3A_218] : memref<16448xf32, #tpu.memory_space<vmem>>[vector<16xi32>], vector<16xf32>,
        %add3A_220 = arith.constant 0 : i32
        %add3A_221 = vector.broadcast %add3A_220 : i32 to vector<16xi32>
        %add3A_222 = arith.addi %iota3A, %add3A_221 : vector<16xi32>
        %add3A_223 = arith.addi %broadcast_in_dim3A_160, %add3A_222 : vector<16xi32>
        %gather3A_224 = tpu.vector_load_idx %arg8[%add3A_223] : memref<16448xf32, #tpu.memory_space<vmem>>[vector<16xi32>], vector<16xf32>,
        %add3A_225 = arith.constant 16 : i32
        %add3A_226 = vector.broadcast %add3A_225 : i32 to vector<16xi32>
        %add3A_227 = arith.addi %iota3A, %add3A_226 : vector<16xi32>
        %add3A_228 = arith.addi %broadcast_in_dim3A_160, %add3A_227 : vector<16xi32>
        %gather3A_229 = tpu.vector_load_idx %arg8[%add3A_228] : memref<16448xf32, #tpu.memory_space<vmem>>[vector<16xi32>], vector<16xf32>,
        %add3A_230 = arith.constant 32 : i32
        %add3A_231 = vector.broadcast %add3A_230 : i32 to vector<16xi32>
        %add3A_232 = arith.addi %iota3A, %add3A_231 : vector<16xi32>
        %add3A_233 = arith.addi %broadcast_in_dim3A_160, %add3A_232 : vector<16xi32>
        %gather3A_234 = tpu.vector_load_idx %arg8[%add3A_233] : memref<16448xf32, #tpu.memory_space<vmem>>[vector<16xi32>], vector<16xf32>,
        %add3A_235 = arith.constant 48 : i32
        %add3A_236 = vector.broadcast %add3A_235 : i32 to vector<16xi32>
        %add3A_237 = arith.addi %iota3A, %add3A_236 : vector<16xi32>
        %add3A_238 = arith.addi %broadcast_in_dim3A_160, %add3A_237 : vector<16xi32>
        %gather3A_239 = tpu.vector_load_idx %arg8[%add3A_238] : memref<16448xf32, #tpu.memory_space<vmem>>[vector<16xi32>], vector<16xf32>,
        %mul3A_240 = arith.constant 16 : i32
        %mul3A_241 = arith.muli %scan3A_132, %mul3A_240 : i32
        %add3A_242 = arith.constant 0 : i32
        %add3A_243 = arith.addi %mul3A_241, %add3A_242 : i32
        %add3A_244 = arith.constant 0 : i32
        %add3A_245 = arith.addi %add3A_243, %add3A_244 : i32
        %swap3A = arith.index_cast %select_n3A_44 : i32 to index
        %swap3A_246 = arith.index_cast %add3A_245 : i32 to index
        %swap3A_247 = arith.constant 0 : index
        %swap3A_248 = tpu.vector_load %arg9[%swap3A, %swap3A_246, %swap3A_247] {strides = array<i32>} : memref<2x512x64xf32, #tpu.memory_space<vmem>>, vector<16xf32>,
        tpu.vector_store %arg9[%swap3A, %swap3A_246, %swap3A_247], %gather3A {strides = array<i32>} : memref<2x512x64xf32, #tpu.memory_space<vmem>>, vector<16xf32>,
        %mul3A_249 = arith.constant 16 : i32
        %mul3A_250 = arith.muli %scan3A_132, %mul3A_249 : i32
        %add3A_251 = arith.constant 0 : i32
        %add3A_252 = arith.addi %mul3A_250, %add3A_251 : i32
        %add3A_253 = arith.constant 0 : i32
        %add3A_254 = arith.addi %add3A_252, %add3A_253 : i32
        %swap3A_255 = arith.index_cast %select_n3A_44 : i32 to index
        %swap3A_256 = arith.index_cast %add3A_254 : i32 to index
        %swap3A_257 = arith.constant 16 : index
        %swap3A_258 = tpu.vector_load %arg9[%swap3A_255, %swap3A_256, %swap3A_257] {strides = array<i32>} : memref<2x512x64xf32, #tpu.memory_space<vmem>>, vector<16xf32>,
        tpu.vector_store %arg9[%swap3A_255, %swap3A_256, %swap3A_257], %gather3A_169 {strides = array<i32>} : memref<2x512x64xf32, #tpu.memory_space<vmem>>, vector<16xf32>,
        %mul3A_259 = arith.constant 16 : i32
        %mul3A_260 = arith.muli %scan3A_132, %mul3A_259 : i32
        %add3A_261 = arith.constant 0 : i32
        %add3A_262 = arith.addi %mul3A_260, %add3A_261 : i32
        %add3A_263 = arith.constant 0 : i32
        %add3A_264 = arith.addi %add3A_262, %add3A_263 : i32
        %swap3A_265 = arith.index_cast %select_n3A_44 : i32 to index
        %swap3A_266 = arith.index_cast %add3A_264 : i32 to index
        %swap3A_267 = arith.constant 32 : index
        %swap3A_268 = tpu.vector_load %arg9[%swap3A_265, %swap3A_266, %swap3A_267] {strides = array<i32>} : memref<2x512x64xf32, #tpu.memory_space<vmem>>, vector<16xf32>,
        tpu.vector_store %arg9[%swap3A_265, %swap3A_266, %swap3A_267], %gather3A_174 {strides = array<i32>} : memref<2x512x64xf32, #tpu.memory_space<vmem>>, vector<16xf32>,
        %mul3A_269 = arith.constant 16 : i32
        %mul3A_270 = arith.muli %scan3A_132, %mul3A_269 : i32
        %add3A_271 = arith.constant 0 : i32
        %add3A_272 = arith.addi %mul3A_270, %add3A_271 : i32
        %add3A_273 = arith.constant 0 : i32
        %add3A_274 = arith.addi %add3A_272, %add3A_273 : i32
        %swap3A_275 = arith.index_cast %select_n3A_44 : i32 to index
        %swap3A_276 = arith.index_cast %add3A_274 : i32 to index
        %swap3A_277 = arith.constant 48 : index
        %swap3A_278 = tpu.vector_load %arg9[%swap3A_275, %swap3A_276, %swap3A_277] {strides = array<i32>} : memref<2x512x64xf32, #tpu.memory_space<vmem>>, vector<16xf32>,
        tpu.vector_store %arg9[%swap3A_275, %swap3A_276, %swap3A_277], %gather3A_179 {strides = array<i32>} : memref<2x512x64xf32, #tpu.memory_space<vmem>>, vector<16xf32>,
        %mul3A_279 = arith.constant 16 : i32
        %mul3A_280 = arith.muli %scan3A_132, %mul3A_279 : i32
        %add3A_281 = arith.constant 0 : i32
        %add3A_282 = arith.addi %mul3A_280, %add3A_281 : i32
        %add3A_283 = arith.constant 1 : i32
        %add3A_284 = arith.addi %add3A_282, %add3A_283 : i32
        %swap3A_285 = arith.index_cast %select_n3A_44 : i32 to index
        %swap3A_286 = arith.index_cast %add3A_284 : i32 to index
        %swap3A_287 = arith.constant 0 : index
        %swap3A_288 = tpu.vector_load %arg9[%swap3A_285, %swap3A_286, %swap3A_287] {strides = array<i32>} : memref<2x512x64xf32, #tpu.memory_space<vmem>>, vector<16xf32>,
        tpu.vector_store %arg9[%swap3A_285, %swap3A_286, %swap3A_287], %gather3A_184 {strides = array<i32>} : memref<2x512x64xf32, #tpu.memory_space<vmem>>, vector<16xf32>,
        %mul3A_289 = arith.constant 16 : i32
        %mul3A_290 = arith.muli %scan3A_132, %mul3A_289 : i32
        %add3A_291 = arith.constant 0 : i32
        %add3A_292 = arith.addi %mul3A_290, %add3A_291 : i32
        %add3A_293 = arith.constant 1 : i32
        %add3A_294 = arith.addi %add3A_292, %add3A_293 : i32
        %swap3A_295 = arith.index_cast %select_n3A_44 : i32 to index
        %swap3A_296 = arith.index_cast %add3A_294 : i32 to index
        %swap3A_297 = arith.constant 16 : index
        %swap3A_298 = tpu.vector_load %arg9[%swap3A_295, %swap3A_296, %swap3A_297] {strides = array<i32>} : memref<2x512x64xf32, #tpu.memory_space<vmem>>, vector<16xf32>,
        tpu.vector_store %arg9[%swap3A_295, %swap3A_296, %swap3A_297], %gather3A_189 {strides = array<i32>} : memref<2x512x64xf32, #tpu.memory_space<vmem>>, vector<16xf32>,
        %mul3A_299 = arith.constant 16 : i32
        %mul3A_300 = arith.muli %scan3A_132, %mul3A_299 : i32
        %add3A_301 = arith.constant 0 : i32
        %add3A_302 = arith.addi %mul3A_300, %add3A_301 : i32
        %add3A_303 = arith.constant 1 : i32
        %add3A_304 = arith.addi %add3A_302, %add3A_303 : i32
        %swap3A_305 = arith.index_cast %select_n3A_44 : i32 to index
        %swap3A_306 = arith.index_cast %add3A_304 : i32 to index
        %swap3A_307 = arith.constant 32 : index
        %swap3A_308 = tpu.vector_load %arg9[%swap3A_305, %swap3A_306, %swap3A_307] {strides = array<i32>} : memref<2x512x64xf32, #tpu.memory_space<vmem>>, vector<16xf32>,
        tpu.vector_store %arg9[%swap3A_305, %swap3A_306, %swap3A_307], %gather3A_194 {strides = array<i32>} : memref<2x512x64xf32, #tpu.memory_space<vmem>>, vector<16xf32>,
        %mul3A_309 = arith.constant 16 : i32
        %mul3A_310 = arith.muli %scan3A_132, %mul3A_309 : i32
        %add3A_311 = arith.constant 0 : i32
        %add3A_312 = arith.addi %mul3A_310, %add3A_311 : i32
        %add3A_313 = arith.constant 1 : i32
        %add3A_314 = arith.addi %add3A_312, %add3A_313 : i32
        %swap3A_315 = arith.index_cast %select_n3A_44 : i32 to index
        %swap3A_316 = arith.index_cast %add3A_314 : i32 to index
        %swap3A_317 = arith.constant 48 : index
        %swap3A_318 = tpu.vector_load %arg9[%swap3A_315, %swap3A_316, %swap3A_317] {strides = array<i32>} : memref<2x512x64xf32, #tpu.memory_space<vmem>>, vector<16xf32>,
        tpu.vector_store %arg9[%swap3A_315, %swap3A_316, %swap3A_317], %gather3A_199 {strides = array<i32>} : memref<2x512x64xf32, #tpu.memory_space<vmem>>, vector<16xf32>,
        %mul3A_319 = arith.constant 16 : i32
        %mul3A_320 = arith.muli %scan3A_132, %mul3A_319 : i32
        %add3A_321 = arith.constant 0 : i32
        %add3A_322 = arith.addi %mul3A_320, %add3A_321 : i32
        %add3A_323 = arith.constant 2 : i32
        %add3A_324 = arith.addi %add3A_322, %add3A_323 : i32
        %swap3A_325 = arith.index_cast %select_n3A_44 : i32 to index
        %swap3A_326 = arith.index_cast %add3A_324 : i32 to index
        %swap3A_327 = arith.constant 0 : index
        %swap3A_328 = tpu.vector_load %arg9[%swap3A_325, %swap3A_326, %swap3A_327] {strides = array<i32>} : memref<2x512x64xf32, #tpu.memory_space<vmem>>, vector<16xf32>,
        tpu.vector_store %arg9[%swap3A_325, %swap3A_326, %swap3A_327], %gather3A_204 {strides = array<i32>} : memref<2x512x64xf32, #tpu.memory_space<vmem>>, vector<16xf32>,
        %mul3A_329 = arith.constant 16 : i32
        %mul3A_330 = arith.muli %scan3A_132, %mul3A_329 : i32
        %add3A_331 = arith.constant 0 : i32
        %add3A_332 = arith.addi %mul3A_330, %add3A_331 : i32
        %add3A_333 = arith.constant 2 : i32
        %add3A_334 = arith.addi %add3A_332, %add3A_333 : i32
        %swap3A_335 = arith.index_cast %select_n3A_44 : i32 to index
        %swap3A_336 = arith.index_cast %add3A_334 : i32 to index
        %swap3A_337 = arith.constant 16 : index
        %swap3A_338 = tpu.vector_load %arg9[%swap3A_335, %swap3A_336, %swap3A_337] {strides = array<i32>} : memref<2x512x64xf32, #tpu.memory_space<vmem>>, vector<16xf32>,
        tpu.vector_store %arg9[%swap3A_335, %swap3A_336, %swap3A_337], %gather3A_209 {strides = array<i32>} : memref<2x512x64xf32, #tpu.memory_space<vmem>>, vector<16xf32>,
        %mul3A_339 = arith.constant 16 : i32
        %mul3A_340 = arith.muli %scan3A_132, %mul3A_339 : i32
        %add3A_341 = arith.constant 0 : i32
        %add3A_342 = arith.addi %mul3A_340, %add3A_341 : i32
        %add3A_343 = arith.constant 2 : i32
        %add3A_344 = arith.addi %add3A_342, %add3A_343 : i32
        %swap3A_345 = arith.index_cast %select_n3A_44 : i32 to index
        %swap3A_346 = arith.index_cast %add3A_344 : i32 to index
        %swap3A_347 = arith.constant 32 : index
        %swap3A_348 = tpu.vector_load %arg9[%swap3A_345, %swap3A_346, %swap3A_347] {strides = array<i32>} : memref<2x512x64xf32, #tpu.memory_space<vmem>>, vector<16xf32>,
        tpu.vector_store %arg9[%swap3A_345, %swap3A_346, %swap3A_347], %gather3A_214 {strides = array<i32>} : memref<2x512x64xf32, #tpu.memory_space<vmem>>, vector<16xf32>,
        %mul3A_349 = arith.constant 16 : i32
        %mul3A_350 = arith.muli %scan3A_132, %mul3A_349 : i32
        %add3A_351 = arith.constant 0 : i32
        %add3A_352 = arith.addi %mul3A_350, %add3A_351 : i32
        %add3A_353 = arith.constant 2 : i32
        %add3A_354 = arith.addi %add3A_352, %add3A_353 : i32
        %swap3A_355 = arith.index_cast %select_n3A_44 : i32 to index
        %swap3A_356 = arith.index_cast %add3A_354 : i32 to index
        %swap3A_357 = arith.constant 48 : index
        %swap3A_358 = tpu.vector_load %arg9[%swap3A_355, %swap3A_356, %swap3A_357] {strides = array<i32>} : memref<2x512x64xf32, #tpu.memory_space<vmem>>, vector<16xf32>,
        tpu.vector_store %arg9[%swap3A_355, %swap3A_356, %swap3A_357], %gather3A_219 {strides = array<i32>} : memref<2x512x64xf32, #tpu.memory_space<vmem>>, vector<16xf32>,
        %mul3A_359 = arith.constant 16 : i32
        %mul3A_360 = arith.muli %scan3A_132, %mul3A_359 : i32
        %add3A_361 = arith.constant 0 : i32
        %add3A_362 = arith.addi %mul3A_360, %add3A_361 : i32
        %add3A_363 = arith.constant 3 : i32
        %add3A_364 = arith.addi %add3A_362, %add3A_363 : i32
        %swap3A_365 = arith.index_cast %select_n3A_44 : i32 to index
        %swap3A_366 = arith.index_cast %add3A_364 : i32 to index
        %swap3A_367 = arith.constant 0 : index
        %swap3A_368 = tpu.vector_load %arg9[%swap3A_365, %swap3A_366, %swap3A_367] {strides = array<i32>} : memref<2x512x64xf32, #tpu.memory_space<vmem>>, vector<16xf32>,
        tpu.vector_store %arg9[%swap3A_365, %swap3A_366, %swap3A_367], %gather3A_224 {strides = array<i32>} : memref<2x512x64xf32, #tpu.memory_space<vmem>>, vector<16xf32>,
        %mul3A_369 = arith.constant 16 : i32
        %mul3A_370 = arith.muli %scan3A_132, %mul3A_369 : i32
        %add3A_371 = arith.constant 0 : i32
        %add3A_372 = arith.addi %mul3A_370, %add3A_371 : i32
        %add3A_373 = arith.constant 3 : i32
        %add3A_374 = arith.addi %add3A_372, %add3A_373 : i32
        %swap3A_375 = arith.index_cast %select_n3A_44 : i32 to index
        %swap3A_376 = arith.index_cast %add3A_374 : i32 to index
        %swap3A_377 = arith.constant 16 : index
        %swap3A_378 = tpu.vector_load %arg9[%swap3A_375, %swap3A_376, %swap3A_377] {strides = array<i32>} : memref<2x512x64xf32, #tpu.memory_space<vmem>>, vector<16xf32>,
        tpu.vector_store %arg9[%swap3A_375, %swap3A_376, %swap3A_377], %gather3A_229 {strides = array<i32>} : memref<2x512x64xf32, #tpu.memory_space<vmem>>, vector<16xf32>,
        %mul3A_379 = arith.constant 16 : i32
        %mul3A_380 = arith.muli %scan3A_132, %mul3A_379 : i32
        %add3A_381 = arith.constant 0 : i32
        %add3A_382 = arith.addi %mul3A_380, %add3A_381 : i32
        %add3A_383 = arith.constant 3 : i32
        %add3A_384 = arith.addi %add3A_382, %add3A_383 : i32
        %swap3A_385 = arith.index_cast %select_n3A_44 : i32 to index
        %swap3A_386 = arith.index_cast %add3A_384 : i32 to index
        %swap3A_387 = arith.constant 32 : index
        %swap3A_388 = tpu.vector_load %arg9[%swap3A_385, %swap3A_386, %swap3A_387] {strides = array<i32>} : memref<2x512x64xf32, #tpu.memory_space<vmem>>, vector<16xf32>,
        tpu.vector_store %arg9[%swap3A_385, %swap3A_386, %swap3A_387], %gather3A_234 {strides = array<i32>} : memref<2x512x64xf32, #tpu.memory_space<vmem>>, vector<16xf32>,
        %mul3A_389 = arith.constant 16 : i32
        %mul3A_390 = arith.muli %scan3A_132, %mul3A_389 : i32
        %add3A_391 = arith.constant 0 : i32
        %add3A_392 = arith.addi %mul3A_390, %add3A_391 : i32
        %add3A_393 = arith.constant 3 : i32
        %add3A_394 = arith.addi %add3A_392, %add3A_393 : i32
        %swap3A_395 = arith.index_cast %select_n3A_44 : i32 to index
        %swap3A_396 = arith.index_cast %add3A_394 : i32 to index
        %swap3A_397 = arith.constant 48 : index
        %swap3A_398 = tpu.vector_load %arg9[%swap3A_395, %swap3A_396, %swap3A_397] {strides = array<i32>} : memref<2x512x64xf32, #tpu.memory_space<vmem>>, vector<16xf32>,
        tpu.vector_store %arg9[%swap3A_395, %swap3A_396, %swap3A_397], %gather3A_239 {strides = array<i32>} : memref<2x512x64xf32, #tpu.memory_space<vmem>>, vector<16xf32>,
        %slice3A_399 = vector.extract_strided_slice %mul3A_151 {offsets = [4], sizes = [1], strides = [1]} : vector<16xi32> to vector<1xi32>
        %squeeze3A_400 = vector.extract %slice3A_399[0] : i32 from vector<1xi32>
        %broadcast_in_dim3A_401 = vector.broadcast %squeeze3A_400 : i32 to vector<16xi32>
        %slice3A_402 = vector.extract_strided_slice %mul3A_151 {offsets = [5], sizes = [1], strides = [1]} : vector<16xi32> to vector<1xi32>
        %squeeze3A_403 = vector.extract %slice3A_402[0] : i32 from vector<1xi32>
        %broadcast_in_dim3A_404 = vector.broadcast %squeeze3A_403 : i32 to vector<16xi32>
        %slice3A_405 = vector.extract_strided_slice %mul3A_151 {offsets = [6], sizes = [1], strides = [1]} : vector<16xi32> to vector<1xi32>
        %squeeze3A_406 = vector.extract %slice3A_405[0] : i32 from vector<1xi32>
        %broadcast_in_dim3A_407 = vector.broadcast %squeeze3A_406 : i32 to vector<16xi32>
        %slice3A_408 = vector.extract_strided_slice %mul3A_151 {offsets = [7], sizes = [1], strides = [1]} : vector<16xi32> to vector<1xi32>
        %squeeze3A_409 = vector.extract %slice3A_408[0] : i32 from vector<1xi32>
        %broadcast_in_dim3A_410 = vector.broadcast %squeeze3A_409 : i32 to vector<16xi32>
        %add3A_411 = arith.constant 0 : i32
        %add3A_412 = vector.broadcast %add3A_411 : i32 to vector<16xi32>
        %add3A_413 = arith.addi %iota3A, %add3A_412 : vector<16xi32>
        %add3A_414 = arith.addi %broadcast_in_dim3A_401, %add3A_413 : vector<16xi32>
        %gather3A_415 = tpu.vector_load_idx %arg8[%add3A_414] : memref<16448xf32, #tpu.memory_space<vmem>>[vector<16xi32>], vector<16xf32>,
        %add3A_416 = arith.constant 16 : i32
        %add3A_417 = vector.broadcast %add3A_416 : i32 to vector<16xi32>
        %add3A_418 = arith.addi %iota3A, %add3A_417 : vector<16xi32>
        %add3A_419 = arith.addi %broadcast_in_dim3A_401, %add3A_418 : vector<16xi32>
        %gather3A_420 = tpu.vector_load_idx %arg8[%add3A_419] : memref<16448xf32, #tpu.memory_space<vmem>>[vector<16xi32>], vector<16xf32>,
        %add3A_421 = arith.constant 32 : i32
        %add3A_422 = vector.broadcast %add3A_421 : i32 to vector<16xi32>
        %add3A_423 = arith.addi %iota3A, %add3A_422 : vector<16xi32>
        %add3A_424 = arith.addi %broadcast_in_dim3A_401, %add3A_423 : vector<16xi32>
        %gather3A_425 = tpu.vector_load_idx %arg8[%add3A_424] : memref<16448xf32, #tpu.memory_space<vmem>>[vector<16xi32>], vector<16xf32>,
        %add3A_426 = arith.constant 48 : i32
        %add3A_427 = vector.broadcast %add3A_426 : i32 to vector<16xi32>
        %add3A_428 = arith.addi %iota3A, %add3A_427 : vector<16xi32>
        %add3A_429 = arith.addi %broadcast_in_dim3A_401, %add3A_428 : vector<16xi32>
        %gather3A_430 = tpu.vector_load_idx %arg8[%add3A_429] : memref<16448xf32, #tpu.memory_space<vmem>>[vector<16xi32>], vector<16xf32>,
        %add3A_431 = arith.constant 0 : i32
        %add3A_432 = vector.broadcast %add3A_431 : i32 to vector<16xi32>
        %add3A_433 = arith.addi %iota3A, %add3A_432 : vector<16xi32>
        %add3A_434 = arith.addi %broadcast_in_dim3A_404, %add3A_433 : vector<16xi32>
        %gather3A_435 = tpu.vector_load_idx %arg8[%add3A_434] : memref<16448xf32, #tpu.memory_space<vmem>>[vector<16xi32>], vector<16xf32>,
        %add3A_436 = arith.constant 16 : i32
        %add3A_437 = vector.broadcast %add3A_436 : i32 to vector<16xi32>
        %add3A_438 = arith.addi %iota3A, %add3A_437 : vector<16xi32>
        %add3A_439 = arith.addi %broadcast_in_dim3A_404, %add3A_438 : vector<16xi32>
        %gather3A_440 = tpu.vector_load_idx %arg8[%add3A_439] : memref<16448xf32, #tpu.memory_space<vmem>>[vector<16xi32>], vector<16xf32>,
        %add3A_441 = arith.constant 32 : i32
        %add3A_442 = vector.broadcast %add3A_441 : i32 to vector<16xi32>
        %add3A_443 = arith.addi %iota3A, %add3A_442 : vector<16xi32>
        %add3A_444 = arith.addi %broadcast_in_dim3A_404, %add3A_443 : vector<16xi32>
        %gather3A_445 = tpu.vector_load_idx %arg8[%add3A_444] : memref<16448xf32, #tpu.memory_space<vmem>>[vector<16xi32>], vector<16xf32>,
        %add3A_446 = arith.constant 48 : i32
        %add3A_447 = vector.broadcast %add3A_446 : i32 to vector<16xi32>
        %add3A_448 = arith.addi %iota3A, %add3A_447 : vector<16xi32>
        %add3A_449 = arith.addi %broadcast_in_dim3A_404, %add3A_448 : vector<16xi32>
        %gather3A_450 = tpu.vector_load_idx %arg8[%add3A_449] : memref<16448xf32, #tpu.memory_space<vmem>>[vector<16xi32>], vector<16xf32>,
        %add3A_451 = arith.constant 0 : i32
        %add3A_452 = vector.broadcast %add3A_451 : i32 to vector<16xi32>
        %add3A_453 = arith.addi %iota3A, %add3A_452 : vector<16xi32>
        %add3A_454 = arith.addi %broadcast_in_dim3A_407, %add3A_453 : vector<16xi32>
        %gather3A_455 = tpu.vector_load_idx %arg8[%add3A_454] : memref<16448xf32, #tpu.memory_space<vmem>>[vector<16xi32>], vector<16xf32>,
        %add3A_456 = arith.constant 16 : i32
        %add3A_457 = vector.broadcast %add3A_456 : i32 to vector<16xi32>
        %add3A_458 = arith.addi %iota3A, %add3A_457 : vector<16xi32>
        %add3A_459 = arith.addi %broadcast_in_dim3A_407, %add3A_458 : vector<16xi32>
        %gather3A_460 = tpu.vector_load_idx %arg8[%add3A_459] : memref<16448xf32, #tpu.memory_space<vmem>>[vector<16xi32>], vector<16xf32>,
        %add3A_461 = arith.constant 32 : i32
        %add3A_462 = vector.broadcast %add3A_461 : i32 to vector<16xi32>
        %add3A_463 = arith.addi %iota3A, %add3A_462 : vector<16xi32>
        %add3A_464 = arith.addi %broadcast_in_dim3A_407, %add3A_463 : vector<16xi32>
        %gather3A_465 = tpu.vector_load_idx %arg8[%add3A_464] : memref<16448xf32, #tpu.memory_space<vmem>>[vector<16xi32>], vector<16xf32>,
        %add3A_466 = arith.constant 48 : i32
        %add3A_467 = vector.broadcast %add3A_466 : i32 to vector<16xi32>
        %add3A_468 = arith.addi %iota3A, %add3A_467 : vector<16xi32>
        %add3A_469 = arith.addi %broadcast_in_dim3A_407, %add3A_468 : vector<16xi32>
        %gather3A_470 = tpu.vector_load_idx %arg8[%add3A_469] : memref<16448xf32, #tpu.memory_space<vmem>>[vector<16xi32>], vector<16xf32>,
        %add3A_471 = arith.constant 0 : i32
        %add3A_472 = vector.broadcast %add3A_471 : i32 to vector<16xi32>
        %add3A_473 = arith.addi %iota3A, %add3A_472 : vector<16xi32>
        %add3A_474 = arith.addi %broadcast_in_dim3A_410, %add3A_473 : vector<16xi32>
        %gather3A_475 = tpu.vector_load_idx %arg8[%add3A_474] : memref<16448xf32, #tpu.memory_space<vmem>>[vector<16xi32>], vector<16xf32>,
        %add3A_476 = arith.constant 16 : i32
        %add3A_477 = vector.broadcast %add3A_476 : i32 to vector<16xi32>
        %add3A_478 = arith.addi %iota3A, %add3A_477 : vector<16xi32>
        %add3A_479 = arith.addi %broadcast_in_dim3A_410, %add3A_478 : vector<16xi32>
        %gather3A_480 = tpu.vector_load_idx %arg8[%add3A_479] : memref<16448xf32, #tpu.memory_space<vmem>>[vector<16xi32>], vector<16xf32>,
        %add3A_481 = arith.constant 32 : i32
        %add3A_482 = vector.broadcast %add3A_481 : i32 to vector<16xi32>
        %add3A_483 = arith.addi %iota3A, %add3A_482 : vector<16xi32>
        %add3A_484 = arith.addi %broadcast_in_dim3A_410, %add3A_483 : vector<16xi32>
        %gather3A_485 = tpu.vector_load_idx %arg8[%add3A_484] : memref<16448xf32, #tpu.memory_space<vmem>>[vector<16xi32>], vector<16xf32>,
        %add3A_486 = arith.constant 48 : i32
        %add3A_487 = vector.broadcast %add3A_486 : i32 to vector<16xi32>
        %add3A_488 = arith.addi %iota3A, %add3A_487 : vector<16xi32>
        %add3A_489 = arith.addi %broadcast_in_dim3A_410, %add3A_488 : vector<16xi32>
        %gather3A_490 = tpu.vector_load_idx %arg8[%add3A_489] : memref<16448xf32, #tpu.memory_space<vmem>>[vector<16xi32>], vector<16xf32>,
        %mul3A_491 = arith.constant 16 : i32
        %mul3A_492 = arith.muli %scan3A_132, %mul3A_491 : i32
        %add3A_493 = arith.constant 4 : i32
        %add3A_494 = arith.addi %mul3A_492, %add3A_493 : i32
        %add3A_495 = arith.constant 0 : i32
        %add3A_496 = arith.addi %add3A_494, %add3A_495 : i32
        %swap3A_497 = arith.index_cast %select_n3A_44 : i32 to index
        %swap3A_498 = arith.index_cast %add3A_496 : i32 to index
        %swap3A_499 = arith.constant 0 : index
        %swap3A_500 = tpu.vector_load %arg9[%swap3A_497, %swap3A_498, %swap3A_499] {strides = array<i32>} : memref<2x512x64xf32, #tpu.memory_space<vmem>>, vector<16xf32>,
        tpu.vector_store %arg9[%swap3A_497, %swap3A_498, %swap3A_499], %gather3A_415 {strides = array<i32>} : memref<2x512x64xf32, #tpu.memory_space<vmem>>, vector<16xf32>,
        %mul3A_501 = arith.constant 16 : i32
        %mul3A_502 = arith.muli %scan3A_132, %mul3A_501 : i32
        %add3A_503 = arith.constant 4 : i32
        %add3A_504 = arith.addi %mul3A_502, %add3A_503 : i32
        %add3A_505 = arith.constant 0 : i32
        %add3A_506 = arith.addi %add3A_504, %add3A_505 : i32
        %swap3A_507 = arith.index_cast %select_n3A_44 : i32 to index
        %swap3A_508 = arith.index_cast %add3A_506 : i32 to index
        %swap3A_509 = arith.constant 16 : index
        %swap3A_510 = tpu.vector_load %arg9[%swap3A_507, %swap3A_508, %swap3A_509] {strides = array<i32>} : memref<2x512x64xf32, #tpu.memory_space<vmem>>, vector<16xf32>,
        tpu.vector_store %arg9[%swap3A_507, %swap3A_508, %swap3A_509], %gather3A_420 {strides = array<i32>} : memref<2x512x64xf32, #tpu.memory_space<vmem>>, vector<16xf32>,
        %mul3A_511 = arith.constant 16 : i32
        %mul3A_512 = arith.muli %scan3A_132, %mul3A_511 : i32
        %add3A_513 = arith.constant 4 : i32
        %add3A_514 = arith.addi %mul3A_512, %add3A_513 : i32
        %add3A_515 = arith.constant 0 : i32
        %add3A_516 = arith.addi %add3A_514, %add3A_515 : i32
        %swap3A_517 = arith.index_cast %select_n3A_44 : i32 to index
        %swap3A_518 = arith.index_cast %add3A_516 : i32 to index
        %swap3A_519 = arith.constant 32 : index
        %swap3A_520 = tpu.vector_load %arg9[%swap3A_517, %swap3A_518, %swap3A_519] {strides = array<i32>} : memref<2x512x64xf32, #tpu.memory_space<vmem>>, vector<16xf32>,
        tpu.vector_store %arg9[%swap3A_517, %swap3A_518, %swap3A_519], %gather3A_425 {strides = array<i32>} : memref<2x512x64xf32, #tpu.memory_space<vmem>>, vector<16xf32>,
        %mul3A_521 = arith.constant 16 : i32
        %mul3A_522 = arith.muli %scan3A_132, %mul3A_521 : i32
        %add3A_523 = arith.constant 4 : i32
        %add3A_524 = arith.addi %mul3A_522, %add3A_523 : i32
        %add3A_525 = arith.constant 0 : i32
        %add3A_526 = arith.addi %add3A_524, %add3A_525 : i32
        %swap3A_527 = arith.index_cast %select_n3A_44 : i32 to index
        %swap3A_528 = arith.index_cast %add3A_526 : i32 to index
        %swap3A_529 = arith.constant 48 : index
        %swap3A_530 = tpu.vector_load %arg9[%swap3A_527, %swap3A_528, %swap3A_529] {strides = array<i32>} : memref<2x512x64xf32, #tpu.memory_space<vmem>>, vector<16xf32>,
        tpu.vector_store %arg9[%swap3A_527, %swap3A_528, %swap3A_529], %gather3A_430 {strides = array<i32>} : memref<2x512x64xf32, #tpu.memory_space<vmem>>, vector<16xf32>,
        %mul3A_531 = arith.constant 16 : i32
        %mul3A_532 = arith.muli %scan3A_132, %mul3A_531 : i32
        %add3A_533 = arith.constant 4 : i32
        %add3A_534 = arith.addi %mul3A_532, %add3A_533 : i32
        %add3A_535 = arith.constant 1 : i32
        %add3A_536 = arith.addi %add3A_534, %add3A_535 : i32
        %swap3A_537 = arith.index_cast %select_n3A_44 : i32 to index
        %swap3A_538 = arith.index_cast %add3A_536 : i32 to index
        %swap3A_539 = arith.constant 0 : index
        %swap3A_540 = tpu.vector_load %arg9[%swap3A_537, %swap3A_538, %swap3A_539] {strides = array<i32>} : memref<2x512x64xf32, #tpu.memory_space<vmem>>, vector<16xf32>,
        tpu.vector_store %arg9[%swap3A_537, %swap3A_538, %swap3A_539], %gather3A_435 {strides = array<i32>} : memref<2x512x64xf32, #tpu.memory_space<vmem>>, vector<16xf32>,
        %mul3A_541 = arith.constant 16 : i32
        %mul3A_542 = arith.muli %scan3A_132, %mul3A_541 : i32
        %add3A_543 = arith.constant 4 : i32
        %add3A_544 = arith.addi %mul3A_542, %add3A_543 : i32
        %add3A_545 = arith.constant 1 : i32
        %add3A_546 = arith.addi %add3A_544, %add3A_545 : i32
        %swap3A_547 = arith.index_cast %select_n3A_44 : i32 to index
        %swap3A_548 = arith.index_cast %add3A_546 : i32 to index
        %swap3A_549 = arith.constant 16 : index
        %swap3A_550 = tpu.vector_load %arg9[%swap3A_547, %swap3A_548, %swap3A_549] {strides = array<i32>} : memref<2x512x64xf32, #tpu.memory_space<vmem>>, vector<16xf32>,
        tpu.vector_store %arg9[%swap3A_547, %swap3A_548, %swap3A_549], %gather3A_440 {strides = array<i32>} : memref<2x512x64xf32, #tpu.memory_space<vmem>>, vector<16xf32>,
        %mul3A_551 = arith.constant 16 : i32
        %mul3A_552 = arith.muli %scan3A_132, %mul3A_551 : i32
        %add3A_553 = arith.constant 4 : i32
        %add3A_554 = arith.addi %mul3A_552, %add3A_553 : i32
        %add3A_555 = arith.constant 1 : i32
        %add3A_556 = arith.addi %add3A_554, %add3A_555 : i32
        %swap3A_557 = arith.index_cast %select_n3A_44 : i32 to index
        %swap3A_558 = arith.index_cast %add3A_556 : i32 to index
        %swap3A_559 = arith.constant 32 : index
        %swap3A_560 = tpu.vector_load %arg9[%swap3A_557, %swap3A_558, %swap3A_559] {strides = array<i32>} : memref<2x512x64xf32, #tpu.memory_space<vmem>>, vector<16xf32>,
        tpu.vector_store %arg9[%swap3A_557, %swap3A_558, %swap3A_559], %gather3A_445 {strides = array<i32>} : memref<2x512x64xf32, #tpu.memory_space<vmem>>, vector<16xf32>,
        %mul3A_561 = arith.constant 16 : i32
        %mul3A_562 = arith.muli %scan3A_132, %mul3A_561 : i32
        %add3A_563 = arith.constant 4 : i32
        %add3A_564 = arith.addi %mul3A_562, %add3A_563 : i32
        %add3A_565 = arith.constant 1 : i32
        %add3A_566 = arith.addi %add3A_564, %add3A_565 : i32
        %swap3A_567 = arith.index_cast %select_n3A_44 : i32 to index
        %swap3A_568 = arith.index_cast %add3A_566 : i32 to index
        %swap3A_569 = arith.constant 48 : index
        %swap3A_570 = tpu.vector_load %arg9[%swap3A_567, %swap3A_568, %swap3A_569] {strides = array<i32>} : memref<2x512x64xf32, #tpu.memory_space<vmem>>, vector<16xf32>,
        tpu.vector_store %arg9[%swap3A_567, %swap3A_568, %swap3A_569], %gather3A_450 {strides = array<i32>} : memref<2x512x64xf32, #tpu.memory_space<vmem>>, vector<16xf32>,
        %mul3A_571 = arith.constant 16 : i32
        %mul3A_572 = arith.muli %scan3A_132, %mul3A_571 : i32
        %add3A_573 = arith.constant 4 : i32
        %add3A_574 = arith.addi %mul3A_572, %add3A_573 : i32
        %add3A_575 = arith.constant 2 : i32
        %add3A_576 = arith.addi %add3A_574, %add3A_575 : i32
        %swap3A_577 = arith.index_cast %select_n3A_44 : i32 to index
        %swap3A_578 = arith.index_cast %add3A_576 : i32 to index
        %swap3A_579 = arith.constant 0 : index
        %swap3A_580 = tpu.vector_load %arg9[%swap3A_577, %swap3A_578, %swap3A_579] {strides = array<i32>} : memref<2x512x64xf32, #tpu.memory_space<vmem>>, vector<16xf32>,
        tpu.vector_store %arg9[%swap3A_577, %swap3A_578, %swap3A_579], %gather3A_455 {strides = array<i32>} : memref<2x512x64xf32, #tpu.memory_space<vmem>>, vector<16xf32>,
        %mul3A_581 = arith.constant 16 : i32
        %mul3A_582 = arith.muli %scan3A_132, %mul3A_581 : i32
        %add3A_583 = arith.constant 4 : i32
        %add3A_584 = arith.addi %mul3A_582, %add3A_583 : i32
        %add3A_585 = arith.constant 2 : i32
        %add3A_586 = arith.addi %add3A_584, %add3A_585 : i32
        %swap3A_587 = arith.index_cast %select_n3A_44 : i32 to index
        %swap3A_588 = arith.index_cast %add3A_586 : i32 to index
        %swap3A_589 = arith.constant 16 : index
        %swap3A_590 = tpu.vector_load %arg9[%swap3A_587, %swap3A_588, %swap3A_589] {strides = array<i32>} : memref<2x512x64xf32, #tpu.memory_space<vmem>>, vector<16xf32>,
        tpu.vector_store %arg9[%swap3A_587, %swap3A_588, %swap3A_589], %gather3A_460 {strides = array<i32>} : memref<2x512x64xf32, #tpu.memory_space<vmem>>, vector<16xf32>,
        %mul3A_591 = arith.constant 16 : i32
        %mul3A_592 = arith.muli %scan3A_132, %mul3A_591 : i32
        %add3A_593 = arith.constant 4 : i32
        %add3A_594 = arith.addi %mul3A_592, %add3A_593 : i32
        %add3A_595 = arith.constant 2 : i32
        %add3A_596 = arith.addi %add3A_594, %add3A_595 : i32
        %swap3A_597 = arith.index_cast %select_n3A_44 : i32 to index
        %swap3A_598 = arith.index_cast %add3A_596 : i32 to index
        %swap3A_599 = arith.constant 32 : index
        %swap3A_600 = tpu.vector_load %arg9[%swap3A_597, %swap3A_598, %swap3A_599] {strides = array<i32>} : memref<2x512x64xf32, #tpu.memory_space<vmem>>, vector<16xf32>,
        tpu.vector_store %arg9[%swap3A_597, %swap3A_598, %swap3A_599], %gather3A_465 {strides = array<i32>} : memref<2x512x64xf32, #tpu.memory_space<vmem>>, vector<16xf32>,
        %mul3A_601 = arith.constant 16 : i32
        %mul3A_602 = arith.muli %scan3A_132, %mul3A_601 : i32
        %add3A_603 = arith.constant 4 : i32
        %add3A_604 = arith.addi %mul3A_602, %add3A_603 : i32
        %add3A_605 = arith.constant 2 : i32
        %add3A_606 = arith.addi %add3A_604, %add3A_605 : i32
        %swap3A_607 = arith.index_cast %select_n3A_44 : i32 to index
        %swap3A_608 = arith.index_cast %add3A_606 : i32 to index
        %swap3A_609 = arith.constant 48 : index
        %swap3A_610 = tpu.vector_load %arg9[%swap3A_607, %swap3A_608, %swap3A_609] {strides = array<i32>} : memref<2x512x64xf32, #tpu.memory_space<vmem>>, vector<16xf32>,
        tpu.vector_store %arg9[%swap3A_607, %swap3A_608, %swap3A_609], %gather3A_470 {strides = array<i32>} : memref<2x512x64xf32, #tpu.memory_space<vmem>>, vector<16xf32>,
        %mul3A_611 = arith.constant 16 : i32
        %mul3A_612 = arith.muli %scan3A_132, %mul3A_611 : i32
        %add3A_613 = arith.constant 4 : i32
        %add3A_614 = arith.addi %mul3A_612, %add3A_613 : i32
        %add3A_615 = arith.constant 3 : i32
        %add3A_616 = arith.addi %add3A_614, %add3A_615 : i32
        %swap3A_617 = arith.index_cast %select_n3A_44 : i32 to index
        %swap3A_618 = arith.index_cast %add3A_616 : i32 to index
        %swap3A_619 = arith.constant 0 : index
        %swap3A_620 = tpu.vector_load %arg9[%swap3A_617, %swap3A_618, %swap3A_619] {strides = array<i32>} : memref<2x512x64xf32, #tpu.memory_space<vmem>>, vector<16xf32>,
        tpu.vector_store %arg9[%swap3A_617, %swap3A_618, %swap3A_619], %gather3A_475 {strides = array<i32>} : memref<2x512x64xf32, #tpu.memory_space<vmem>>, vector<16xf32>,
        %mul3A_621 = arith.constant 16 : i32
        %mul3A_622 = arith.muli %scan3A_132, %mul3A_621 : i32
        %add3A_623 = arith.constant 4 : i32
        %add3A_624 = arith.addi %mul3A_622, %add3A_623 : i32
        %add3A_625 = arith.constant 3 : i32
        %add3A_626 = arith.addi %add3A_624, %add3A_625 : i32
        %swap3A_627 = arith.index_cast %select_n3A_44 : i32 to index
        %swap3A_628 = arith.index_cast %add3A_626 : i32 to index
        %swap3A_629 = arith.constant 16 : index
        %swap3A_630 = tpu.vector_load %arg9[%swap3A_627, %swap3A_628, %swap3A_629] {strides = array<i32>} : memref<2x512x64xf32, #tpu.memory_space<vmem>>, vector<16xf32>,
        tpu.vector_store %arg9[%swap3A_627, %swap3A_628, %swap3A_629], %gather3A_480 {strides = array<i32>} : memref<2x512x64xf32, #tpu.memory_space<vmem>>, vector<16xf32>,
        %mul3A_631 = arith.constant 16 : i32
        %mul3A_632 = arith.muli %scan3A_132, %mul3A_631 : i32
        %add3A_633 = arith.constant 4 : i32
        %add3A_634 = arith.addi %mul3A_632, %add3A_633 : i32
        %add3A_635 = arith.constant 3 : i32
        %add3A_636 = arith.addi %add3A_634, %add3A_635 : i32
        %swap3A_637 = arith.index_cast %select_n3A_44 : i32 to index
        %swap3A_638 = arith.index_cast %add3A_636 : i32 to index
        %swap3A_639 = arith.constant 32 : index
        %swap3A_640 = tpu.vector_load %arg9[%swap3A_637, %swap3A_638, %swap3A_639] {strides = array<i32>} : memref<2x512x64xf32, #tpu.memory_space<vmem>>, vector<16xf32>,
        tpu.vector_store %arg9[%swap3A_637, %swap3A_638, %swap3A_639], %gather3A_485 {strides = array<i32>} : memref<2x512x64xf32, #tpu.memory_space<vmem>>, vector<16xf32>,
        %mul3A_641 = arith.constant 16 : i32
        %mul3A_642 = arith.muli %scan3A_132, %mul3A_641 : i32
        %add3A_643 = arith.constant 4 : i32
        %add3A_644 = arith.addi %mul3A_642, %add3A_643 : i32
        %add3A_645 = arith.constant 3 : i32
        %add3A_646 = arith.addi %add3A_644, %add3A_645 : i32
        %swap3A_647 = arith.index_cast %select_n3A_44 : i32 to index
        %swap3A_648 = arith.index_cast %add3A_646 : i32 to index
        %swap3A_649 = arith.constant 48 : index
        %swap3A_650 = tpu.vector_load %arg9[%swap3A_647, %swap3A_648, %swap3A_649] {strides = array<i32>} : memref<2x512x64xf32, #tpu.memory_space<vmem>>, vector<16xf32>,
        tpu.vector_store %arg9[%swap3A_647, %swap3A_648, %swap3A_649], %gather3A_490 {strides = array<i32>} : memref<2x512x64xf32, #tpu.memory_space<vmem>>, vector<16xf32>,
        %slice3A_651 = vector.extract_strided_slice %mul3A_151 {offsets = [8], sizes = [1], strides = [1]} : vector<16xi32> to vector<1xi32>
        %squeeze3A_652 = vector.extract %slice3A_651[0] : i32 from vector<1xi32>
        %broadcast_in_dim3A_653 = vector.broadcast %squeeze3A_652 : i32 to vector<16xi32>
        %slice3A_654 = vector.extract_strided_slice %mul3A_151 {offsets = [9], sizes = [1], strides = [1]} : vector<16xi32> to vector<1xi32>
        %squeeze3A_655 = vector.extract %slice3A_654[0] : i32 from vector<1xi32>
        %broadcast_in_dim3A_656 = vector.broadcast %squeeze3A_655 : i32 to vector<16xi32>
        %slice3A_657 = vector.extract_strided_slice %mul3A_151 {offsets = [10], sizes = [1], strides = [1]} : vector<16xi32> to vector<1xi32>
        %squeeze3A_658 = vector.extract %slice3A_657[0] : i32 from vector<1xi32>
        %broadcast_in_dim3A_659 = vector.broadcast %squeeze3A_658 : i32 to vector<16xi32>
        %slice3A_660 = vector.extract_strided_slice %mul3A_151 {offsets = [11], sizes = [1], strides = [1]} : vector<16xi32> to vector<1xi32>
        %squeeze3A_661 = vector.extract %slice3A_660[0] : i32 from vector<1xi32>
        %broadcast_in_dim3A_662 = vector.broadcast %squeeze3A_661 : i32 to vector<16xi32>
        %add3A_663 = arith.constant 0 : i32
        %add3A_664 = vector.broadcast %add3A_663 : i32 to vector<16xi32>
        %add3A_665 = arith.addi %iota3A, %add3A_664 : vector<16xi32>
        %add3A_666 = arith.addi %broadcast_in_dim3A_653, %add3A_665 : vector<16xi32>
        %gather3A_667 = tpu.vector_load_idx %arg8[%add3A_666] : memref<16448xf32, #tpu.memory_space<vmem>>[vector<16xi32>], vector<16xf32>,
        %add3A_668 = arith.constant 16 : i32
        %add3A_669 = vector.broadcast %add3A_668 : i32 to vector<16xi32>
        %add3A_670 = arith.addi %iota3A, %add3A_669 : vector<16xi32>
        %add3A_671 = arith.addi %broadcast_in_dim3A_653, %add3A_670 : vector<16xi32>
        %gather3A_672 = tpu.vector_load_idx %arg8[%add3A_671] : memref<16448xf32, #tpu.memory_space<vmem>>[vector<16xi32>], vector<16xf32>,
        %add3A_673 = arith.constant 32 : i32
        %add3A_674 = vector.broadcast %add3A_673 : i32 to vector<16xi32>
        %add3A_675 = arith.addi %iota3A, %add3A_674 : vector<16xi32>
        %add3A_676 = arith.addi %broadcast_in_dim3A_653, %add3A_675 : vector<16xi32>
        %gather3A_677 = tpu.vector_load_idx %arg8[%add3A_676] : memref<16448xf32, #tpu.memory_space<vmem>>[vector<16xi32>], vector<16xf32>,
        %add3A_678 = arith.constant 48 : i32
        %add3A_679 = vector.broadcast %add3A_678 : i32 to vector<16xi32>
        %add3A_680 = arith.addi %iota3A, %add3A_679 : vector<16xi32>
        %add3A_681 = arith.addi %broadcast_in_dim3A_653, %add3A_680 : vector<16xi32>
        %gather3A_682 = tpu.vector_load_idx %arg8[%add3A_681] : memref<16448xf32, #tpu.memory_space<vmem>>[vector<16xi32>], vector<16xf32>,
        %add3A_683 = arith.constant 0 : i32
        %add3A_684 = vector.broadcast %add3A_683 : i32 to vector<16xi32>
        %add3A_685 = arith.addi %iota3A, %add3A_684 : vector<16xi32>
        %add3A_686 = arith.addi %broadcast_in_dim3A_656, %add3A_685 : vector<16xi32>
        %gather3A_687 = tpu.vector_load_idx %arg8[%add3A_686] : memref<16448xf32, #tpu.memory_space<vmem>>[vector<16xi32>], vector<16xf32>,
        %add3A_688 = arith.constant 16 : i32
        %add3A_689 = vector.broadcast %add3A_688 : i32 to vector<16xi32>
        %add3A_690 = arith.addi %iota3A, %add3A_689 : vector<16xi32>
        %add3A_691 = arith.addi %broadcast_in_dim3A_656, %add3A_690 : vector<16xi32>
        %gather3A_692 = tpu.vector_load_idx %arg8[%add3A_691] : memref<16448xf32, #tpu.memory_space<vmem>>[vector<16xi32>], vector<16xf32>,
        %add3A_693 = arith.constant 32 : i32
        %add3A_694 = vector.broadcast %add3A_693 : i32 to vector<16xi32>
        %add3A_695 = arith.addi %iota3A, %add3A_694 : vector<16xi32>
        %add3A_696 = arith.addi %broadcast_in_dim3A_656, %add3A_695 : vector<16xi32>
        %gather3A_697 = tpu.vector_load_idx %arg8[%add3A_696] : memref<16448xf32, #tpu.memory_space<vmem>>[vector<16xi32>], vector<16xf32>,
        %add3A_698 = arith.constant 48 : i32
        %add3A_699 = vector.broadcast %add3A_698 : i32 to vector<16xi32>
        %add3A_700 = arith.addi %iota3A, %add3A_699 : vector<16xi32>
        %add3A_701 = arith.addi %broadcast_in_dim3A_656, %add3A_700 : vector<16xi32>
        %gather3A_702 = tpu.vector_load_idx %arg8[%add3A_701] : memref<16448xf32, #tpu.memory_space<vmem>>[vector<16xi32>], vector<16xf32>,
        %add3A_703 = arith.constant 0 : i32
        %add3A_704 = vector.broadcast %add3A_703 : i32 to vector<16xi32>
        %add3A_705 = arith.addi %iota3A, %add3A_704 : vector<16xi32>
        %add3A_706 = arith.addi %broadcast_in_dim3A_659, %add3A_705 : vector<16xi32>
        %gather3A_707 = tpu.vector_load_idx %arg8[%add3A_706] : memref<16448xf32, #tpu.memory_space<vmem>>[vector<16xi32>], vector<16xf32>,
        %add3A_708 = arith.constant 16 : i32
        %add3A_709 = vector.broadcast %add3A_708 : i32 to vector<16xi32>
        %add3A_710 = arith.addi %iota3A, %add3A_709 : vector<16xi32>
        %add3A_711 = arith.addi %broadcast_in_dim3A_659, %add3A_710 : vector<16xi32>
        %gather3A_712 = tpu.vector_load_idx %arg8[%add3A_711] : memref<16448xf32, #tpu.memory_space<vmem>>[vector<16xi32>], vector<16xf32>,
        %add3A_713 = arith.constant 32 : i32
        %add3A_714 = vector.broadcast %add3A_713 : i32 to vector<16xi32>
        %add3A_715 = arith.addi %iota3A, %add3A_714 : vector<16xi32>
        %add3A_716 = arith.addi %broadcast_in_dim3A_659, %add3A_715 : vector<16xi32>
        %gather3A_717 = tpu.vector_load_idx %arg8[%add3A_716] : memref<16448xf32, #tpu.memory_space<vmem>>[vector<16xi32>], vector<16xf32>,
        %add3A_718 = arith.constant 48 : i32
        %add3A_719 = vector.broadcast %add3A_718 : i32 to vector<16xi32>
        %add3A_720 = arith.addi %iota3A, %add3A_719 : vector<16xi32>
        %add3A_721 = arith.addi %broadcast_in_dim3A_659, %add3A_720 : vector<16xi32>
        %gather3A_722 = tpu.vector_load_idx %arg8[%add3A_721] : memref<16448xf32, #tpu.memory_space<vmem>>[vector<16xi32>], vector<16xf32>,
        %add3A_723 = arith.constant 0 : i32
        %add3A_724 = vector.broadcast %add3A_723 : i32 to vector<16xi32>
        %add3A_725 = arith.addi %iota3A, %add3A_724 : vector<16xi32>
        %add3A_726 = arith.addi %broadcast_in_dim3A_662, %add3A_725 : vector<16xi32>
        %gather3A_727 = tpu.vector_load_idx %arg8[%add3A_726] : memref<16448xf32, #tpu.memory_space<vmem>>[vector<16xi32>], vector<16xf32>,
        %add3A_728 = arith.constant 16 : i32
        %add3A_729 = vector.broadcast %add3A_728 : i32 to vector<16xi32>
        %add3A_730 = arith.addi %iota3A, %add3A_729 : vector<16xi32>
        %add3A_731 = arith.addi %broadcast_in_dim3A_662, %add3A_730 : vector<16xi32>
        %gather3A_732 = tpu.vector_load_idx %arg8[%add3A_731] : memref<16448xf32, #tpu.memory_space<vmem>>[vector<16xi32>], vector<16xf32>,
        %add3A_733 = arith.constant 32 : i32
        %add3A_734 = vector.broadcast %add3A_733 : i32 to vector<16xi32>
        %add3A_735 = arith.addi %iota3A, %add3A_734 : vector<16xi32>
        %add3A_736 = arith.addi %broadcast_in_dim3A_662, %add3A_735 : vector<16xi32>
        %gather3A_737 = tpu.vector_load_idx %arg8[%add3A_736] : memref<16448xf32, #tpu.memory_space<vmem>>[vector<16xi32>], vector<16xf32>,
        %add3A_738 = arith.constant 48 : i32
        %add3A_739 = vector.broadcast %add3A_738 : i32 to vector<16xi32>
        %add3A_740 = arith.addi %iota3A, %add3A_739 : vector<16xi32>
        %add3A_741 = arith.addi %broadcast_in_dim3A_662, %add3A_740 : vector<16xi32>
        %gather3A_742 = tpu.vector_load_idx %arg8[%add3A_741] : memref<16448xf32, #tpu.memory_space<vmem>>[vector<16xi32>], vector<16xf32>,
        %mul3A_743 = arith.constant 16 : i32
        %mul3A_744 = arith.muli %scan3A_132, %mul3A_743 : i32
        %add3A_745 = arith.constant 8 : i32
        %add3A_746 = arith.addi %mul3A_744, %add3A_745 : i32
        %add3A_747 = arith.constant 0 : i32
        %add3A_748 = arith.addi %add3A_746, %add3A_747 : i32
        %swap3A_749 = arith.index_cast %select_n3A_44 : i32 to index
        %swap3A_750 = arith.index_cast %add3A_748 : i32 to index
        %swap3A_751 = arith.constant 0 : index
        %swap3A_752 = tpu.vector_load %arg9[%swap3A_749, %swap3A_750, %swap3A_751] {strides = array<i32>} : memref<2x512x64xf32, #tpu.memory_space<vmem>>, vector<16xf32>,
        tpu.vector_store %arg9[%swap3A_749, %swap3A_750, %swap3A_751], %gather3A_667 {strides = array<i32>} : memref<2x512x64xf32, #tpu.memory_space<vmem>>, vector<16xf32>,
        %mul3A_753 = arith.constant 16 : i32
        %mul3A_754 = arith.muli %scan3A_132, %mul3A_753 : i32
        %add3A_755 = arith.constant 8 : i32
        %add3A_756 = arith.addi %mul3A_754, %add3A_755 : i32
        %add3A_757 = arith.constant 0 : i32
        %add3A_758 = arith.addi %add3A_756, %add3A_757 : i32
        %swap3A_759 = arith.index_cast %select_n3A_44 : i32 to index
        %swap3A_760 = arith.index_cast %add3A_758 : i32 to index
        %swap3A_761 = arith.constant 16 : index
        %swap3A_762 = tpu.vector_load %arg9[%swap3A_759, %swap3A_760, %swap3A_761] {strides = array<i32>} : memref<2x512x64xf32, #tpu.memory_space<vmem>>, vector<16xf32>,
        tpu.vector_store %arg9[%swap3A_759, %swap3A_760, %swap3A_761], %gather3A_672 {strides = array<i32>} : memref<2x512x64xf32, #tpu.memory_space<vmem>>, vector<16xf32>,
        %mul3A_763 = arith.constant 16 : i32
        %mul3A_764 = arith.muli %scan3A_132, %mul3A_763 : i32
        %add3A_765 = arith.constant 8 : i32
        %add3A_766 = arith.addi %mul3A_764, %add3A_765 : i32
        %add3A_767 = arith.constant 0 : i32
        %add3A_768 = arith.addi %add3A_766, %add3A_767 : i32
        %swap3A_769 = arith.index_cast %select_n3A_44 : i32 to index
        %swap3A_770 = arith.index_cast %add3A_768 : i32 to index
        %swap3A_771 = arith.constant 32 : index
        %swap3A_772 = tpu.vector_load %arg9[%swap3A_769, %swap3A_770, %swap3A_771] {strides = array<i32>} : memref<2x512x64xf32, #tpu.memory_space<vmem>>, vector<16xf32>,
        tpu.vector_store %arg9[%swap3A_769, %swap3A_770, %swap3A_771], %gather3A_677 {strides = array<i32>} : memref<2x512x64xf32, #tpu.memory_space<vmem>>, vector<16xf32>,
        %mul3A_773 = arith.constant 16 : i32
        %mul3A_774 = arith.muli %scan3A_132, %mul3A_773 : i32
        %add3A_775 = arith.constant 8 : i32
        %add3A_776 = arith.addi %mul3A_774, %add3A_775 : i32
        %add3A_777 = arith.constant 0 : i32
        %add3A_778 = arith.addi %add3A_776, %add3A_777 : i32
        %swap3A_779 = arith.index_cast %select_n3A_44 : i32 to index
        %swap3A_780 = arith.index_cast %add3A_778 : i32 to index
        %swap3A_781 = arith.constant 48 : index
        %swap3A_782 = tpu.vector_load %arg9[%swap3A_779, %swap3A_780, %swap3A_781] {strides = array<i32>} : memref<2x512x64xf32, #tpu.memory_space<vmem>>, vector<16xf32>,
        tpu.vector_store %arg9[%swap3A_779, %swap3A_780, %swap3A_781], %gather3A_682 {strides = array<i32>} : memref<2x512x64xf32, #tpu.memory_space<vmem>>, vector<16xf32>,
        %mul3A_783 = arith.constant 16 : i32
        %mul3A_784 = arith.muli %scan3A_132, %mul3A_783 : i32
        %add3A_785 = arith.constant 8 : i32
        %add3A_786 = arith.addi %mul3A_784, %add3A_785 : i32
        %add3A_787 = arith.constant 1 : i32
        %add3A_788 = arith.addi %add3A_786, %add3A_787 : i32
        %swap3A_789 = arith.index_cast %select_n3A_44 : i32 to index
        %swap3A_790 = arith.index_cast %add3A_788 : i32 to index
        %swap3A_791 = arith.constant 0 : index
        %swap3A_792 = tpu.vector_load %arg9[%swap3A_789, %swap3A_790, %swap3A_791] {strides = array<i32>} : memref<2x512x64xf32, #tpu.memory_space<vmem>>, vector<16xf32>,
        tpu.vector_store %arg9[%swap3A_789, %swap3A_790, %swap3A_791], %gather3A_687 {strides = array<i32>} : memref<2x512x64xf32, #tpu.memory_space<vmem>>, vector<16xf32>,
        %mul3A_793 = arith.constant 16 : i32
        %mul3A_794 = arith.muli %scan3A_132, %mul3A_793 : i32
        %add3A_795 = arith.constant 8 : i32
        %add3A_796 = arith.addi %mul3A_794, %add3A_795 : i32
        %add3A_797 = arith.constant 1 : i32
        %add3A_798 = arith.addi %add3A_796, %add3A_797 : i32
        %swap3A_799 = arith.index_cast %select_n3A_44 : i32 to index
        %swap3A_800 = arith.index_cast %add3A_798 : i32 to index
        %swap3A_801 = arith.constant 16 : index
        %swap3A_802 = tpu.vector_load %arg9[%swap3A_799, %swap3A_800, %swap3A_801] {strides = array<i32>} : memref<2x512x64xf32, #tpu.memory_space<vmem>>, vector<16xf32>,
        tpu.vector_store %arg9[%swap3A_799, %swap3A_800, %swap3A_801], %gather3A_692 {strides = array<i32>} : memref<2x512x64xf32, #tpu.memory_space<vmem>>, vector<16xf32>,
        %mul3A_803 = arith.constant 16 : i32
        %mul3A_804 = arith.muli %scan3A_132, %mul3A_803 : i32
        %add3A_805 = arith.constant 8 : i32
        %add3A_806 = arith.addi %mul3A_804, %add3A_805 : i32
        %add3A_807 = arith.constant 1 : i32
        %add3A_808 = arith.addi %add3A_806, %add3A_807 : i32
        %swap3A_809 = arith.index_cast %select_n3A_44 : i32 to index
        %swap3A_810 = arith.index_cast %add3A_808 : i32 to index
        %swap3A_811 = arith.constant 32 : index
        %swap3A_812 = tpu.vector_load %arg9[%swap3A_809, %swap3A_810, %swap3A_811] {strides = array<i32>} : memref<2x512x64xf32, #tpu.memory_space<vmem>>, vector<16xf32>,
        tpu.vector_store %arg9[%swap3A_809, %swap3A_810, %swap3A_811], %gather3A_697 {strides = array<i32>} : memref<2x512x64xf32, #tpu.memory_space<vmem>>, vector<16xf32>,
        %mul3A_813 = arith.constant 16 : i32
        %mul3A_814 = arith.muli %scan3A_132, %mul3A_813 : i32
        %add3A_815 = arith.constant 8 : i32
        %add3A_816 = arith.addi %mul3A_814, %add3A_815 : i32
        %add3A_817 = arith.constant 1 : i32
        %add3A_818 = arith.addi %add3A_816, %add3A_817 : i32
        %swap3A_819 = arith.index_cast %select_n3A_44 : i32 to index
        %swap3A_820 = arith.index_cast %add3A_818 : i32 to index
        %swap3A_821 = arith.constant 48 : index
        %swap3A_822 = tpu.vector_load %arg9[%swap3A_819, %swap3A_820, %swap3A_821] {strides = array<i32>} : memref<2x512x64xf32, #tpu.memory_space<vmem>>, vector<16xf32>,
        tpu.vector_store %arg9[%swap3A_819, %swap3A_820, %swap3A_821], %gather3A_702 {strides = array<i32>} : memref<2x512x64xf32, #tpu.memory_space<vmem>>, vector<16xf32>,
        %mul3A_823 = arith.constant 16 : i32
        %mul3A_824 = arith.muli %scan3A_132, %mul3A_823 : i32
        %add3A_825 = arith.constant 8 : i32
        %add3A_826 = arith.addi %mul3A_824, %add3A_825 : i32
        %add3A_827 = arith.constant 2 : i32
        %add3A_828 = arith.addi %add3A_826, %add3A_827 : i32
        %swap3A_829 = arith.index_cast %select_n3A_44 : i32 to index
        %swap3A_830 = arith.index_cast %add3A_828 : i32 to index
        %swap3A_831 = arith.constant 0 : index
        %swap3A_832 = tpu.vector_load %arg9[%swap3A_829, %swap3A_830, %swap3A_831] {strides = array<i32>} : memref<2x512x64xf32, #tpu.memory_space<vmem>>, vector<16xf32>,
        tpu.vector_store %arg9[%swap3A_829, %swap3A_830, %swap3A_831], %gather3A_707 {strides = array<i32>} : memref<2x512x64xf32, #tpu.memory_space<vmem>>, vector<16xf32>,
        %mul3A_833 = arith.constant 16 : i32
        %mul3A_834 = arith.muli %scan3A_132, %mul3A_833 : i32
        %add3A_835 = arith.constant 8 : i32
        %add3A_836 = arith.addi %mul3A_834, %add3A_835 : i32
        %add3A_837 = arith.constant 2 : i32
        %add3A_838 = arith.addi %add3A_836, %add3A_837 : i32
        %swap3A_839 = arith.index_cast %select_n3A_44 : i32 to index
        %swap3A_840 = arith.index_cast %add3A_838 : i32 to index
        %swap3A_841 = arith.constant 16 : index
        %swap3A_842 = tpu.vector_load %arg9[%swap3A_839, %swap3A_840, %swap3A_841] {strides = array<i32>} : memref<2x512x64xf32, #tpu.memory_space<vmem>>, vector<16xf32>,
        tpu.vector_store %arg9[%swap3A_839, %swap3A_840, %swap3A_841], %gather3A_712 {strides = array<i32>} : memref<2x512x64xf32, #tpu.memory_space<vmem>>, vector<16xf32>,
        %mul3A_843 = arith.constant 16 : i32
        %mul3A_844 = arith.muli %scan3A_132, %mul3A_843 : i32
        %add3A_845 = arith.constant 8 : i32
        %add3A_846 = arith.addi %mul3A_844, %add3A_845 : i32
        %add3A_847 = arith.constant 2 : i32
        %add3A_848 = arith.addi %add3A_846, %add3A_847 : i32
        %swap3A_849 = arith.index_cast %select_n3A_44 : i32 to index
        %swap3A_850 = arith.index_cast %add3A_848 : i32 to index
        %swap3A_851 = arith.constant 32 : index
        %swap3A_852 = tpu.vector_load %arg9[%swap3A_849, %swap3A_850, %swap3A_851] {strides = array<i32>} : memref<2x512x64xf32, #tpu.memory_space<vmem>>, vector<16xf32>,
        tpu.vector_store %arg9[%swap3A_849, %swap3A_850, %swap3A_851], %gather3A_717 {strides = array<i32>} : memref<2x512x64xf32, #tpu.memory_space<vmem>>, vector<16xf32>,
        %mul3A_853 = arith.constant 16 : i32
        %mul3A_854 = arith.muli %scan3A_132, %mul3A_853 : i32
        %add3A_855 = arith.constant 8 : i32
        %add3A_856 = arith.addi %mul3A_854, %add3A_855 : i32
        %add3A_857 = arith.constant 2 : i32
        %add3A_858 = arith.addi %add3A_856, %add3A_857 : i32
        %swap3A_859 = arith.index_cast %select_n3A_44 : i32 to index
        %swap3A_860 = arith.index_cast %add3A_858 : i32 to index
        %swap3A_861 = arith.constant 48 : index
        %swap3A_862 = tpu.vector_load %arg9[%swap3A_859, %swap3A_860, %swap3A_861] {strides = array<i32>} : memref<2x512x64xf32, #tpu.memory_space<vmem>>, vector<16xf32>,
        tpu.vector_store %arg9[%swap3A_859, %swap3A_860, %swap3A_861], %gather3A_722 {strides = array<i32>} : memref<2x512x64xf32, #tpu.memory_space<vmem>>, vector<16xf32>,
        %mul3A_863 = arith.constant 16 : i32
        %mul3A_864 = arith.muli %scan3A_132, %mul3A_863 : i32
        %add3A_865 = arith.constant 8 : i32
        %add3A_866 = arith.addi %mul3A_864, %add3A_865 : i32
        %add3A_867 = arith.constant 3 : i32
        %add3A_868 = arith.addi %add3A_866, %add3A_867 : i32
        %swap3A_869 = arith.index_cast %select_n3A_44 : i32 to index
        %swap3A_870 = arith.index_cast %add3A_868 : i32 to index
        %swap3A_871 = arith.constant 0 : index
        %swap3A_872 = tpu.vector_load %arg9[%swap3A_869, %swap3A_870, %swap3A_871] {strides = array<i32>} : memref<2x512x64xf32, #tpu.memory_space<vmem>>, vector<16xf32>,
        tpu.vector_store %arg9[%swap3A_869, %swap3A_870, %swap3A_871], %gather3A_727 {strides = array<i32>} : memref<2x512x64xf32, #tpu.memory_space<vmem>>, vector<16xf32>,
        %mul3A_873 = arith.constant 16 : i32
        %mul3A_874 = arith.muli %scan3A_132, %mul3A_873 : i32
        %add3A_875 = arith.constant 8 : i32
        %add3A_876 = arith.addi %mul3A_874, %add3A_875 : i32
        %add3A_877 = arith.constant 3 : i32
        %add3A_878 = arith.addi %add3A_876, %add3A_877 : i32
        %swap3A_879 = arith.index_cast %select_n3A_44 : i32 to index
        %swap3A_880 = arith.index_cast %add3A_878 : i32 to index
        %swap3A_881 = arith.constant 16 : index
        %swap3A_882 = tpu.vector_load %arg9[%swap3A_879, %swap3A_880, %swap3A_881] {strides = array<i32>} : memref<2x512x64xf32, #tpu.memory_space<vmem>>, vector<16xf32>,
        tpu.vector_store %arg9[%swap3A_879, %swap3A_880, %swap3A_881], %gather3A_732 {strides = array<i32>} : memref<2x512x64xf32, #tpu.memory_space<vmem>>, vector<16xf32>,
        %mul3A_883 = arith.constant 16 : i32
        %mul3A_884 = arith.muli %scan3A_132, %mul3A_883 : i32
        %add3A_885 = arith.constant 8 : i32
        %add3A_886 = arith.addi %mul3A_884, %add3A_885 : i32
        %add3A_887 = arith.constant 3 : i32
        %add3A_888 = arith.addi %add3A_886, %add3A_887 : i32
        %swap3A_889 = arith.index_cast %select_n3A_44 : i32 to index
        %swap3A_890 = arith.index_cast %add3A_888 : i32 to index
        %swap3A_891 = arith.constant 32 : index
        %swap3A_892 = tpu.vector_load %arg9[%swap3A_889, %swap3A_890, %swap3A_891] {strides = array<i32>} : memref<2x512x64xf32, #tpu.memory_space<vmem>>, vector<16xf32>,
        tpu.vector_store %arg9[%swap3A_889, %swap3A_890, %swap3A_891], %gather3A_737 {strides = array<i32>} : memref<2x512x64xf32, #tpu.memory_space<vmem>>, vector<16xf32>,
        %mul3A_893 = arith.constant 16 : i32
        %mul3A_894 = arith.muli %scan3A_132, %mul3A_893 : i32
        %add3A_895 = arith.constant 8 : i32
        %add3A_896 = arith.addi %mul3A_894, %add3A_895 : i32
        %add3A_897 = arith.constant 3 : i32
        %add3A_898 = arith.addi %add3A_896, %add3A_897 : i32
        %swap3A_899 = arith.index_cast %select_n3A_44 : i32 to index
        %swap3A_900 = arith.index_cast %add3A_898 : i32 to index
        %swap3A_901 = arith.constant 48 : index
        %swap3A_902 = tpu.vector_load %arg9[%swap3A_899, %swap3A_900, %swap3A_901] {strides = array<i32>} : memref<2x512x64xf32, #tpu.memory_space<vmem>>, vector<16xf32>,
        tpu.vector_store %arg9[%swap3A_899, %swap3A_900, %swap3A_901], %gather3A_742 {strides = array<i32>} : memref<2x512x64xf32, #tpu.memory_space<vmem>>, vector<16xf32>,
        %slice3A_903 = vector.extract_strided_slice %mul3A_151 {offsets = [12], sizes = [1], strides = [1]} : vector<16xi32> to vector<1xi32>
        %squeeze3A_904 = vector.extract %slice3A_903[0] : i32 from vector<1xi32>
        %broadcast_in_dim3A_905 = vector.broadcast %squeeze3A_904 : i32 to vector<16xi32>
        %slice3A_906 = vector.extract_strided_slice %mul3A_151 {offsets = [13], sizes = [1], strides = [1]} : vector<16xi32> to vector<1xi32>
        %squeeze3A_907 = vector.extract %slice3A_906[0] : i32 from vector<1xi32>
        %broadcast_in_dim3A_908 = vector.broadcast %squeeze3A_907 : i32 to vector<16xi32>
        %slice3A_909 = vector.extract_strided_slice %mul3A_151 {offsets = [14], sizes = [1], strides = [1]} : vector<16xi32> to vector<1xi32>
        %squeeze3A_910 = vector.extract %slice3A_909[0] : i32 from vector<1xi32>
        %broadcast_in_dim3A_911 = vector.broadcast %squeeze3A_910 : i32 to vector<16xi32>
        %slice3A_912 = vector.extract_strided_slice %mul3A_151 {offsets = [15], sizes = [1], strides = [1]} : vector<16xi32> to vector<1xi32>
        %squeeze3A_913 = vector.extract %slice3A_912[0] : i32 from vector<1xi32>
        %broadcast_in_dim3A_914 = vector.broadcast %squeeze3A_913 : i32 to vector<16xi32>
        %add3A_915 = arith.constant 0 : i32
        %add3A_916 = vector.broadcast %add3A_915 : i32 to vector<16xi32>
        %add3A_917 = arith.addi %iota3A, %add3A_916 : vector<16xi32>
        %add3A_918 = arith.addi %broadcast_in_dim3A_905, %add3A_917 : vector<16xi32>
        %gather3A_919 = tpu.vector_load_idx %arg8[%add3A_918] : memref<16448xf32, #tpu.memory_space<vmem>>[vector<16xi32>], vector<16xf32>,
        %add3A_920 = arith.constant 16 : i32
        %add3A_921 = vector.broadcast %add3A_920 : i32 to vector<16xi32>
        %add3A_922 = arith.addi %iota3A, %add3A_921 : vector<16xi32>
        %add3A_923 = arith.addi %broadcast_in_dim3A_905, %add3A_922 : vector<16xi32>
        %gather3A_924 = tpu.vector_load_idx %arg8[%add3A_923] : memref<16448xf32, #tpu.memory_space<vmem>>[vector<16xi32>], vector<16xf32>,
        %add3A_925 = arith.constant 32 : i32
        %add3A_926 = vector.broadcast %add3A_925 : i32 to vector<16xi32>
        %add3A_927 = arith.addi %iota3A, %add3A_926 : vector<16xi32>
        %add3A_928 = arith.addi %broadcast_in_dim3A_905, %add3A_927 : vector<16xi32>
        %gather3A_929 = tpu.vector_load_idx %arg8[%add3A_928] : memref<16448xf32, #tpu.memory_space<vmem>>[vector<16xi32>], vector<16xf32>,
        %add3A_930 = arith.constant 48 : i32
        %add3A_931 = vector.broadcast %add3A_930 : i32 to vector<16xi32>
        %add3A_932 = arith.addi %iota3A, %add3A_931 : vector<16xi32>
        %add3A_933 = arith.addi %broadcast_in_dim3A_905, %add3A_932 : vector<16xi32>
        %gather3A_934 = tpu.vector_load_idx %arg8[%add3A_933] : memref<16448xf32, #tpu.memory_space<vmem>>[vector<16xi32>], vector<16xf32>,
        %add3A_935 = arith.constant 0 : i32
        %add3A_936 = vector.broadcast %add3A_935 : i32 to vector<16xi32>
        %add3A_937 = arith.addi %iota3A, %add3A_936 : vector<16xi32>
        %add3A_938 = arith.addi %broadcast_in_dim3A_908, %add3A_937 : vector<16xi32>
        %gather3A_939 = tpu.vector_load_idx %arg8[%add3A_938] : memref<16448xf32, #tpu.memory_space<vmem>>[vector<16xi32>], vector<16xf32>,
        %add3A_940 = arith.constant 16 : i32
        %add3A_941 = vector.broadcast %add3A_940 : i32 to vector<16xi32>
        %add3A_942 = arith.addi %iota3A, %add3A_941 : vector<16xi32>
        %add3A_943 = arith.addi %broadcast_in_dim3A_908, %add3A_942 : vector<16xi32>
        %gather3A_944 = tpu.vector_load_idx %arg8[%add3A_943] : memref<16448xf32, #tpu.memory_space<vmem>>[vector<16xi32>], vector<16xf32>,
        %add3A_945 = arith.constant 32 : i32
        %add3A_946 = vector.broadcast %add3A_945 : i32 to vector<16xi32>
        %add3A_947 = arith.addi %iota3A, %add3A_946 : vector<16xi32>
        %add3A_948 = arith.addi %broadcast_in_dim3A_908, %add3A_947 : vector<16xi32>
        %gather3A_949 = tpu.vector_load_idx %arg8[%add3A_948] : memref<16448xf32, #tpu.memory_space<vmem>>[vector<16xi32>], vector<16xf32>,
        %add3A_950 = arith.constant 48 : i32
        %add3A_951 = vector.broadcast %add3A_950 : i32 to vector<16xi32>
        %add3A_952 = arith.addi %iota3A, %add3A_951 : vector<16xi32>
        %add3A_953 = arith.addi %broadcast_in_dim3A_908, %add3A_952 : vector<16xi32>
        %gather3A_954 = tpu.vector_load_idx %arg8[%add3A_953] : memref<16448xf32, #tpu.memory_space<vmem>>[vector<16xi32>], vector<16xf32>,
        %add3A_955 = arith.constant 0 : i32
        %add3A_956 = vector.broadcast %add3A_955 : i32 to vector<16xi32>
        %add3A_957 = arith.addi %iota3A, %add3A_956 : vector<16xi32>
        %add3A_958 = arith.addi %broadcast_in_dim3A_911, %add3A_957 : vector<16xi32>
        %gather3A_959 = tpu.vector_load_idx %arg8[%add3A_958] : memref<16448xf32, #tpu.memory_space<vmem>>[vector<16xi32>], vector<16xf32>,
        %add3A_960 = arith.constant 16 : i32
        %add3A_961 = vector.broadcast %add3A_960 : i32 to vector<16xi32>
        %add3A_962 = arith.addi %iota3A, %add3A_961 : vector<16xi32>
        %add3A_963 = arith.addi %broadcast_in_dim3A_911, %add3A_962 : vector<16xi32>
        %gather3A_964 = tpu.vector_load_idx %arg8[%add3A_963] : memref<16448xf32, #tpu.memory_space<vmem>>[vector<16xi32>], vector<16xf32>,
        %add3A_965 = arith.constant 32 : i32
        %add3A_966 = vector.broadcast %add3A_965 : i32 to vector<16xi32>
        %add3A_967 = arith.addi %iota3A, %add3A_966 : vector<16xi32>
        %add3A_968 = arith.addi %broadcast_in_dim3A_911, %add3A_967 : vector<16xi32>
        %gather3A_969 = tpu.vector_load_idx %arg8[%add3A_968] : memref<16448xf32, #tpu.memory_space<vmem>>[vector<16xi32>], vector<16xf32>,
        %add3A_970 = arith.constant 48 : i32
        %add3A_971 = vector.broadcast %add3A_970 : i32 to vector<16xi32>
        %add3A_972 = arith.addi %iota3A, %add3A_971 : vector<16xi32>
        %add3A_973 = arith.addi %broadcast_in_dim3A_911, %add3A_972 : vector<16xi32>
        %gather3A_974 = tpu.vector_load_idx %arg8[%add3A_973] : memref<16448xf32, #tpu.memory_space<vmem>>[vector<16xi32>], vector<16xf32>,
        %add3A_975 = arith.constant 0 : i32
        %add3A_976 = vector.broadcast %add3A_975 : i32 to vector<16xi32>
        %add3A_977 = arith.addi %iota3A, %add3A_976 : vector<16xi32>
        %add3A_978 = arith.addi %broadcast_in_dim3A_914, %add3A_977 : vector<16xi32>
        %gather3A_979 = tpu.vector_load_idx %arg8[%add3A_978] : memref<16448xf32, #tpu.memory_space<vmem>>[vector<16xi32>], vector<16xf32>,
        %add3A_980 = arith.constant 16 : i32
        %add3A_981 = vector.broadcast %add3A_980 : i32 to vector<16xi32>
        %add3A_982 = arith.addi %iota3A, %add3A_981 : vector<16xi32>
        %add3A_983 = arith.addi %broadcast_in_dim3A_914, %add3A_982 : vector<16xi32>
        %gather3A_984 = tpu.vector_load_idx %arg8[%add3A_983] : memref<16448xf32, #tpu.memory_space<vmem>>[vector<16xi32>], vector<16xf32>,
        %add3A_985 = arith.constant 32 : i32
        %add3A_986 = vector.broadcast %add3A_985 : i32 to vector<16xi32>
        %add3A_987 = arith.addi %iota3A, %add3A_986 : vector<16xi32>
        %add3A_988 = arith.addi %broadcast_in_dim3A_914, %add3A_987 : vector<16xi32>
        %gather3A_989 = tpu.vector_load_idx %arg8[%add3A_988] : memref<16448xf32, #tpu.memory_space<vmem>>[vector<16xi32>], vector<16xf32>,
        %add3A_990 = arith.constant 48 : i32
        %add3A_991 = vector.broadcast %add3A_990 : i32 to vector<16xi32>
        %add3A_992 = arith.addi %iota3A, %add3A_991 : vector<16xi32>
        %add3A_993 = arith.addi %broadcast_in_dim3A_914, %add3A_992 : vector<16xi32>
        %gather3A_994 = tpu.vector_load_idx %arg8[%add3A_993] : memref<16448xf32, #tpu.memory_space<vmem>>[vector<16xi32>], vector<16xf32>,
        %mul3A_995 = arith.constant 16 : i32
        %mul3A_996 = arith.muli %scan3A_132, %mul3A_995 : i32
        %add3A_997 = arith.constant 12 : i32
        %add3A_998 = arith.addi %mul3A_996, %add3A_997 : i32
        %add3A_999 = arith.constant 0 : i32
        %add3A_1000 = arith.addi %add3A_998, %add3A_999 : i32
        %swap3A_1001 = arith.index_cast %select_n3A_44 : i32 to index
        %swap3A_1002 = arith.index_cast %add3A_1000 : i32 to index
        %swap3A_1003 = arith.constant 0 : index
        %swap3A_1004 = tpu.vector_load %arg9[%swap3A_1001, %swap3A_1002, %swap3A_1003] {strides = array<i32>} : memref<2x512x64xf32, #tpu.memory_space<vmem>>, vector<16xf32>,
        tpu.vector_store %arg9[%swap3A_1001, %swap3A_1002, %swap3A_1003], %gather3A_919 {strides = array<i32>} : memref<2x512x64xf32, #tpu.memory_space<vmem>>, vector<16xf32>,
        %mul3A_1005 = arith.constant 16 : i32
        %mul3A_1006 = arith.muli %scan3A_132, %mul3A_1005 : i32
        %add3A_1007 = arith.constant 12 : i32
        %add3A_1008 = arith.addi %mul3A_1006, %add3A_1007 : i32
        %add3A_1009 = arith.constant 0 : i32
        %add3A_1010 = arith.addi %add3A_1008, %add3A_1009 : i32
        %swap3A_1011 = arith.index_cast %select_n3A_44 : i32 to index
        %swap3A_1012 = arith.index_cast %add3A_1010 : i32 to index
        %swap3A_1013 = arith.constant 16 : index
        %swap3A_1014 = tpu.vector_load %arg9[%swap3A_1011, %swap3A_1012, %swap3A_1013] {strides = array<i32>} : memref<2x512x64xf32, #tpu.memory_space<vmem>>, vector<16xf32>,
        tpu.vector_store %arg9[%swap3A_1011, %swap3A_1012, %swap3A_1013], %gather3A_924 {strides = array<i32>} : memref<2x512x64xf32, #tpu.memory_space<vmem>>, vector<16xf32>,
        %mul3A_1015 = arith.constant 16 : i32
        %mul3A_1016 = arith.muli %scan3A_132, %mul3A_1015 : i32
        %add3A_1017 = arith.constant 12 : i32
        %add3A_1018 = arith.addi %mul3A_1016, %add3A_1017 : i32
        %add3A_1019 = arith.constant 0 : i32
        %add3A_1020 = arith.addi %add3A_1018, %add3A_1019 : i32
        %swap3A_1021 = arith.index_cast %select_n3A_44 : i32 to index
        %swap3A_1022 = arith.index_cast %add3A_1020 : i32 to index
        %swap3A_1023 = arith.constant 32 : index
        %swap3A_1024 = tpu.vector_load %arg9[%swap3A_1021, %swap3A_1022, %swap3A_1023] {strides = array<i32>} : memref<2x512x64xf32, #tpu.memory_space<vmem>>, vector<16xf32>,
        tpu.vector_store %arg9[%swap3A_1021, %swap3A_1022, %swap3A_1023], %gather3A_929 {strides = array<i32>} : memref<2x512x64xf32, #tpu.memory_space<vmem>>, vector<16xf32>,
        %mul3A_1025 = arith.constant 16 : i32
        %mul3A_1026 = arith.muli %scan3A_132, %mul3A_1025 : i32
        %add3A_1027 = arith.constant 12 : i32
        %add3A_1028 = arith.addi %mul3A_1026, %add3A_1027 : i32
        %add3A_1029 = arith.constant 0 : i32
        %add3A_1030 = arith.addi %add3A_1028, %add3A_1029 : i32
        %swap3A_1031 = arith.index_cast %select_n3A_44 : i32 to index
        %swap3A_1032 = arith.index_cast %add3A_1030 : i32 to index
        %swap3A_1033 = arith.constant 48 : index
        %swap3A_1034 = tpu.vector_load %arg9[%swap3A_1031, %swap3A_1032, %swap3A_1033] {strides = array<i32>} : memref<2x512x64xf32, #tpu.memory_space<vmem>>, vector<16xf32>,
        tpu.vector_store %arg9[%swap3A_1031, %swap3A_1032, %swap3A_1033], %gather3A_934 {strides = array<i32>} : memref<2x512x64xf32, #tpu.memory_space<vmem>>, vector<16xf32>,
        %mul3A_1035 = arith.constant 16 : i32
        %mul3A_1036 = arith.muli %scan3A_132, %mul3A_1035 : i32
        %add3A_1037 = arith.constant 12 : i32
        %add3A_1038 = arith.addi %mul3A_1036, %add3A_1037 : i32
        %add3A_1039 = arith.constant 1 : i32
        %add3A_1040 = arith.addi %add3A_1038, %add3A_1039 : i32
        %swap3A_1041 = arith.index_cast %select_n3A_44 : i32 to index
        %swap3A_1042 = arith.index_cast %add3A_1040 : i32 to index
        %swap3A_1043 = arith.constant 0 : index
        %swap3A_1044 = tpu.vector_load %arg9[%swap3A_1041, %swap3A_1042, %swap3A_1043] {strides = array<i32>} : memref<2x512x64xf32, #tpu.memory_space<vmem>>, vector<16xf32>,
        tpu.vector_store %arg9[%swap3A_1041, %swap3A_1042, %swap3A_1043], %gather3A_939 {strides = array<i32>} : memref<2x512x64xf32, #tpu.memory_space<vmem>>, vector<16xf32>,
        %mul3A_1045 = arith.constant 16 : i32
        %mul3A_1046 = arith.muli %scan3A_132, %mul3A_1045 : i32
        %add3A_1047 = arith.constant 12 : i32
        %add3A_1048 = arith.addi %mul3A_1046, %add3A_1047 : i32
        %add3A_1049 = arith.constant 1 : i32
        %add3A_1050 = arith.addi %add3A_1048, %add3A_1049 : i32
        %swap3A_1051 = arith.index_cast %select_n3A_44 : i32 to index
        %swap3A_1052 = arith.index_cast %add3A_1050 : i32 to index
        %swap3A_1053 = arith.constant 16 : index
        %swap3A_1054 = tpu.vector_load %arg9[%swap3A_1051, %swap3A_1052, %swap3A_1053] {strides = array<i32>} : memref<2x512x64xf32, #tpu.memory_space<vmem>>, vector<16xf32>,
        tpu.vector_store %arg9[%swap3A_1051, %swap3A_1052, %swap3A_1053], %gather3A_944 {strides = array<i32>} : memref<2x512x64xf32, #tpu.memory_space<vmem>>, vector<16xf32>,
        %mul3A_1055 = arith.constant 16 : i32
        %mul3A_1056 = arith.muli %scan3A_132, %mul3A_1055 : i32
        %add3A_1057 = arith.constant 12 : i32
        %add3A_1058 = arith.addi %mul3A_1056, %add3A_1057 : i32
        %add3A_1059 = arith.constant 1 : i32
        %add3A_1060 = arith.addi %add3A_1058, %add3A_1059 : i32
        %swap3A_1061 = arith.index_cast %select_n3A_44 : i32 to index
        %swap3A_1062 = arith.index_cast %add3A_1060 : i32 to index
        %swap3A_1063 = arith.constant 32 : index
        %swap3A_1064 = tpu.vector_load %arg9[%swap3A_1061, %swap3A_1062, %swap3A_1063] {strides = array<i32>} : memref<2x512x64xf32, #tpu.memory_space<vmem>>, vector<16xf32>,
        tpu.vector_store %arg9[%swap3A_1061, %swap3A_1062, %swap3A_1063], %gather3A_949 {strides = array<i32>} : memref<2x512x64xf32, #tpu.memory_space<vmem>>, vector<16xf32>,
        %mul3A_1065 = arith.constant 16 : i32
        %mul3A_1066 = arith.muli %scan3A_132, %mul3A_1065 : i32
        %add3A_1067 = arith.constant 12 : i32
        %add3A_1068 = arith.addi %mul3A_1066, %add3A_1067 : i32
        %add3A_1069 = arith.constant 1 : i32
        %add3A_1070 = arith.addi %add3A_1068, %add3A_1069 : i32
        %swap3A_1071 = arith.index_cast %select_n3A_44 : i32 to index
        %swap3A_1072 = arith.index_cast %add3A_1070 : i32 to index
        %swap3A_1073 = arith.constant 48 : index
        %swap3A_1074 = tpu.vector_load %arg9[%swap3A_1071, %swap3A_1072, %swap3A_1073] {strides = array<i32>} : memref<2x512x64xf32, #tpu.memory_space<vmem>>, vector<16xf32>,
        tpu.vector_store %arg9[%swap3A_1071, %swap3A_1072, %swap3A_1073], %gather3A_954 {strides = array<i32>} : memref<2x512x64xf32, #tpu.memory_space<vmem>>, vector<16xf32>,
        %mul3A_1075 = arith.constant 16 : i32
        %mul3A_1076 = arith.muli %scan3A_132, %mul3A_1075 : i32
        %add3A_1077 = arith.constant 12 : i32
        %add3A_1078 = arith.addi %mul3A_1076, %add3A_1077 : i32
        %add3A_1079 = arith.constant 2 : i32
        %add3A_1080 = arith.addi %add3A_1078, %add3A_1079 : i32
        %swap3A_1081 = arith.index_cast %select_n3A_44 : i32 to index
        %swap3A_1082 = arith.index_cast %add3A_1080 : i32 to index
        %swap3A_1083 = arith.constant 0 : index
        %swap3A_1084 = tpu.vector_load %arg9[%swap3A_1081, %swap3A_1082, %swap3A_1083] {strides = array<i32>} : memref<2x512x64xf32, #tpu.memory_space<vmem>>, vector<16xf32>,
        tpu.vector_store %arg9[%swap3A_1081, %swap3A_1082, %swap3A_1083], %gather3A_959 {strides = array<i32>} : memref<2x512x64xf32, #tpu.memory_space<vmem>>, vector<16xf32>,
        %mul3A_1085 = arith.constant 16 : i32
        %mul3A_1086 = arith.muli %scan3A_132, %mul3A_1085 : i32
        %add3A_1087 = arith.constant 12 : i32
        %add3A_1088 = arith.addi %mul3A_1086, %add3A_1087 : i32
        %add3A_1089 = arith.constant 2 : i32
        %add3A_1090 = arith.addi %add3A_1088, %add3A_1089 : i32
        %swap3A_1091 = arith.index_cast %select_n3A_44 : i32 to index
        %swap3A_1092 = arith.index_cast %add3A_1090 : i32 to index
        %swap3A_1093 = arith.constant 16 : index
        %swap3A_1094 = tpu.vector_load %arg9[%swap3A_1091, %swap3A_1092, %swap3A_1093] {strides = array<i32>} : memref<2x512x64xf32, #tpu.memory_space<vmem>>, vector<16xf32>,
        tpu.vector_store %arg9[%swap3A_1091, %swap3A_1092, %swap3A_1093], %gather3A_964 {strides = array<i32>} : memref<2x512x64xf32, #tpu.memory_space<vmem>>, vector<16xf32>,
        %mul3A_1095 = arith.constant 16 : i32
        %mul3A_1096 = arith.muli %scan3A_132, %mul3A_1095 : i32
        %add3A_1097 = arith.constant 12 : i32
        %add3A_1098 = arith.addi %mul3A_1096, %add3A_1097 : i32
        %add3A_1099 = arith.constant 2 : i32
        %add3A_1100 = arith.addi %add3A_1098, %add3A_1099 : i32
        %swap3A_1101 = arith.index_cast %select_n3A_44 : i32 to index
        %swap3A_1102 = arith.index_cast %add3A_1100 : i32 to index
        %swap3A_1103 = arith.constant 32 : index
        %swap3A_1104 = tpu.vector_load %arg9[%swap3A_1101, %swap3A_1102, %swap3A_1103] {strides = array<i32>} : memref<2x512x64xf32, #tpu.memory_space<vmem>>, vector<16xf32>,
        tpu.vector_store %arg9[%swap3A_1101, %swap3A_1102, %swap3A_1103], %gather3A_969 {strides = array<i32>} : memref<2x512x64xf32, #tpu.memory_space<vmem>>, vector<16xf32>,
        %mul3A_1105 = arith.constant 16 : i32
        %mul3A_1106 = arith.muli %scan3A_132, %mul3A_1105 : i32
        %add3A_1107 = arith.constant 12 : i32
        %add3A_1108 = arith.addi %mul3A_1106, %add3A_1107 : i32
        %add3A_1109 = arith.constant 2 : i32
        %add3A_1110 = arith.addi %add3A_1108, %add3A_1109 : i32
        %swap3A_1111 = arith.index_cast %select_n3A_44 : i32 to index
        %swap3A_1112 = arith.index_cast %add3A_1110 : i32 to index
        %swap3A_1113 = arith.constant 48 : index
        %swap3A_1114 = tpu.vector_load %arg9[%swap3A_1111, %swap3A_1112, %swap3A_1113] {strides = array<i32>} : memref<2x512x64xf32, #tpu.memory_space<vmem>>, vector<16xf32>,
        tpu.vector_store %arg9[%swap3A_1111, %swap3A_1112, %swap3A_1113], %gather3A_974 {strides = array<i32>} : memref<2x512x64xf32, #tpu.memory_space<vmem>>, vector<16xf32>,
        %mul3A_1115 = arith.constant 16 : i32
        %mul3A_1116 = arith.muli %scan3A_132, %mul3A_1115 : i32
        %add3A_1117 = arith.constant 12 : i32
        %add3A_1118 = arith.addi %mul3A_1116, %add3A_1117 : i32
        %add3A_1119 = arith.constant 3 : i32
        %add3A_1120 = arith.addi %add3A_1118, %add3A_1119 : i32
        %swap3A_1121 = arith.index_cast %select_n3A_44 : i32 to index
        %swap3A_1122 = arith.index_cast %add3A_1120 : i32 to index
        %swap3A_1123 = arith.constant 0 : index
        %swap3A_1124 = tpu.vector_load %arg9[%swap3A_1121, %swap3A_1122, %swap3A_1123] {strides = array<i32>} : memref<2x512x64xf32, #tpu.memory_space<vmem>>, vector<16xf32>,
        tpu.vector_store %arg9[%swap3A_1121, %swap3A_1122, %swap3A_1123], %gather3A_979 {strides = array<i32>} : memref<2x512x64xf32, #tpu.memory_space<vmem>>, vector<16xf32>,
        %mul3A_1125 = arith.constant 16 : i32
        %mul3A_1126 = arith.muli %scan3A_132, %mul3A_1125 : i32
        %add3A_1127 = arith.constant 12 : i32
        %add3A_1128 = arith.addi %mul3A_1126, %add3A_1127 : i32
        %add3A_1129 = arith.constant 3 : i32
        %add3A_1130 = arith.addi %add3A_1128, %add3A_1129 : i32
        %swap3A_1131 = arith.index_cast %select_n3A_44 : i32 to index
        %swap3A_1132 = arith.index_cast %add3A_1130 : i32 to index
        %swap3A_1133 = arith.constant 16 : index
        %swap3A_1134 = tpu.vector_load %arg9[%swap3A_1131, %swap3A_1132, %swap3A_1133] {strides = array<i32>} : memref<2x512x64xf32, #tpu.memory_space<vmem>>, vector<16xf32>,
        tpu.vector_store %arg9[%swap3A_1131, %swap3A_1132, %swap3A_1133], %gather3A_984 {strides = array<i32>} : memref<2x512x64xf32, #tpu.memory_space<vmem>>, vector<16xf32>,
        %mul3A_1135 = arith.constant 16 : i32
        %mul3A_1136 = arith.muli %scan3A_132, %mul3A_1135 : i32
        %add3A_1137 = arith.constant 12 : i32
        %add3A_1138 = arith.addi %mul3A_1136, %add3A_1137 : i32
        %add3A_1139 = arith.constant 3 : i32
        %add3A_1140 = arith.addi %add3A_1138, %add3A_1139 : i32
        %swap3A_1141 = arith.index_cast %select_n3A_44 : i32 to index
        %swap3A_1142 = arith.index_cast %add3A_1140 : i32 to index
        %swap3A_1143 = arith.constant 32 : index
        %swap3A_1144 = tpu.vector_load %arg9[%swap3A_1141, %swap3A_1142, %swap3A_1143] {strides = array<i32>} : memref<2x512x64xf32, #tpu.memory_space<vmem>>, vector<16xf32>,
        tpu.vector_store %arg9[%swap3A_1141, %swap3A_1142, %swap3A_1143], %gather3A_989 {strides = array<i32>} : memref<2x512x64xf32, #tpu.memory_space<vmem>>, vector<16xf32>,
        %mul3A_1145 = arith.constant 16 : i32
        %mul3A_1146 = arith.muli %scan3A_132, %mul3A_1145 : i32
        %add3A_1147 = arith.constant 12 : i32
        %add3A_1148 = arith.addi %mul3A_1146, %add3A_1147 : i32
        %add3A_1149 = arith.constant 3 : i32
        %add3A_1150 = arith.addi %add3A_1148, %add3A_1149 : i32
        %swap3A_1151 = arith.index_cast %select_n3A_44 : i32 to index
        %swap3A_1152 = arith.index_cast %add3A_1150 : i32 to index
        %swap3A_1153 = arith.constant 48 : index
        %swap3A_1154 = tpu.vector_load %arg9[%swap3A_1151, %swap3A_1152, %swap3A_1153] {strides = array<i32>} : memref<2x512x64xf32, #tpu.memory_space<vmem>>, vector<16xf32>,
        tpu.vector_store %arg9[%swap3A_1151, %swap3A_1152, %swap3A_1153], %gather3A_994 {strides = array<i32>} : memref<2x512x64xf32, #tpu.memory_space<vmem>>, vector<16xf32>,
      }
      %scan3A_120 = arith.constant 32 : i32
      %dma_start3A = arith.constant 0 : i32
      %dma_start3A_121 = arith.constant 0 : i32
      %dma_start3A_122 = tpu.memref_slice %arg9[%select_n3A_44, %dma_start3A, %dma_start3A_121] : memref<2x512x64xf32, #tpu.memory_space<vmem>> -> memref<1x512x64xf32, #tpu.memory_space<vmem>>
      %dma_start3A_123 = tpu.memref_squeeze %dma_start3A_122 : memref<1x512x64xf32, #tpu.memory_space<vmem>> -> memref<512x64xf32, #tpu.memory_space<vmem>>
      %dma_start3A_124 = arith.constant 0 : i32
      %dma_start3A_125 = tpu.memref_slice %arg5[%add3A_49, %dma_start3A_124] : memref<524288x64xf32, #tpu.memory_space<hbm>> -> memref<512x64xf32, #tpu.memory_space<hbm>>
      %dma_start3A_126 = arith.constant 0 : i32
      %dma_start3A_127 = tpu.memref_slice %arg5[%add3A_49, %dma_start3A_126] : memref<524288x64xf32, #tpu.memory_space<hbm>> -> memref<512x64xf32, #tpu.memory_space<hbm>>
      %dma_start3A_128 = arith.constant 0 : i32
      %dma_start3A_129 = arith.constant 0 : i32
      %dma_start3A_130 = tpu.memref_slice %arg9[%select_n3A_44, %dma_start3A_128, %dma_start3A_129] : memref<2x512x64xf32, #tpu.memory_space<vmem>> -> memref<1x512x64xf32, #tpu.memory_space<vmem>>
      %dma_start3A_131 = tpu.memref_squeeze %dma_start3A_130 : memref<1x512x64xf32, #tpu.memory_space<vmem>> -> memref<512x64xf32, #tpu.memory_space<vmem>>
      tpu.enqueue_dma source(%dma_start3A_131 : memref<512x64xf32, #tpu.memory_space<vmem>>) target(%dma_start3A_127 : memref<512x64xf32, #tpu.memory_space<hbm>>) target_semaphore(%arg10 : memref<!tpu.dma_semaphore, #tpu.memory_space<semaphore_mem>>)
    }
    %scan3A_5 = arith.constant 32 : i32
    %dma_wait3A = arith.constant 0 : i32
    %dma_wait3A_6 = arith.constant 0 : i32
    %dma_wait3A_7 = arith.constant 0 : i32
    %dma_wait3A_8 = tpu.memref_slice %arg9[%dma_wait3A, %dma_wait3A_6, %dma_wait3A_7] : memref<2x512x64xf32, #tpu.memory_space<vmem>> -> memref<1x512x64xf32, #tpu.memory_space<vmem>>
    %dma_wait3A_9 = tpu.memref_squeeze %dma_wait3A_8 : memref<1x512x64xf32, #tpu.memory_space<vmem>> -> memref<512x64xf32, #tpu.memory_space<vmem>>
    %dma_wait3A_10 = arith.constant 0 : i32
    %dma_wait3A_11 = arith.constant 0 : i32
    %dma_wait3A_12 = tpu.memref_slice %arg5[%dma_wait3A_10, %dma_wait3A_11] : memref<524288x64xf32, #tpu.memory_space<hbm>> -> memref<512x64xf32, #tpu.memory_space<hbm>>
    %dma_wait3A_13 = arith.constant 0 : i32
    %dma_wait3A_14 = arith.constant 0 : i32
    %dma_wait3A_15 = tpu.memref_slice %arg5[%dma_wait3A_13, %dma_wait3A_14] : memref<524288x64xf32, #tpu.memory_space<hbm>> -> memref<512x64xf32, #tpu.memory_space<hbm>>
    %dma_wait3A_16 = arith.constant 0 : i32
    %dma_wait3A_17 = arith.constant 0 : i32
    %dma_wait3A_18 = tpu.memref_slice %arg9[%dma_wait3A, %dma_wait3A_16, %dma_wait3A_17] : memref<2x512x64xf32, #tpu.memory_space<vmem>> -> memref<1x512x64xf32, #tpu.memory_space<vmem>>
    %dma_wait3A_19 = tpu.memref_squeeze %dma_wait3A_18 : memref<1x512x64xf32, #tpu.memory_space<vmem>> -> memref<512x64xf32, #tpu.memory_space<vmem>>
    tpu.wait_dma2 semaphore(%arg10 : memref<!tpu.dma_semaphore, #tpu.memory_space<semaphore_mem>>) src(%dma_wait3A_19 : memref<512x64xf32, #tpu.memory_space<vmem>>) dst(%dma_wait3A_15 : memref<512x64xf32, #tpu.memory_space<hbm>>)
    %dma_wait3A_20 = arith.constant 0 : i32
    %dma_wait3A_21 = arith.constant 0 : i32
    %dma_wait3A_22 = arith.constant 0 : i32
    %dma_wait3A_23 = tpu.memref_slice %arg9[%dma_wait3A_20, %dma_wait3A_21, %dma_wait3A_22] : memref<2x512x64xf32, #tpu.memory_space<vmem>> -> memref<1x512x64xf32, #tpu.memory_space<vmem>>
    %dma_wait3A_24 = tpu.memref_squeeze %dma_wait3A_23 : memref<1x512x64xf32, #tpu.memory_space<vmem>> -> memref<512x64xf32, #tpu.memory_space<vmem>>
    %dma_wait3A_25 = arith.constant 0 : i32
    %dma_wait3A_26 = arith.constant 0 : i32
    %dma_wait3A_27 = tpu.memref_slice %arg5[%dma_wait3A_25, %dma_wait3A_26] : memref<524288x64xf32, #tpu.memory_space<hbm>> -> memref<512x64xf32, #tpu.memory_space<hbm>>
    %dma_wait3A_28 = arith.constant 0 : i32
    %dma_wait3A_29 = arith.constant 0 : i32
    %dma_wait3A_30 = tpu.memref_slice %arg5[%dma_wait3A_28, %dma_wait3A_29] : memref<524288x64xf32, #tpu.memory_space<hbm>> -> memref<512x64xf32, #tpu.memory_space<hbm>>
    %dma_wait3A_31 = arith.constant 0 : i32
    %dma_wait3A_32 = arith.constant 0 : i32
    %dma_wait3A_33 = tpu.memref_slice %arg9[%dma_wait3A_20, %dma_wait3A_31, %dma_wait3A_32] : memref<2x512x64xf32, #tpu.memory_space<vmem>> -> memref<1x512x64xf32, #tpu.memory_space<vmem>>
    %dma_wait3A_34 = tpu.memref_squeeze %dma_wait3A_33 : memref<1x512x64xf32, #tpu.memory_space<vmem>> -> memref<512x64xf32, #tpu.memory_space<vmem>>
    tpu.wait_dma2 semaphore(%arg10 : memref<!tpu.dma_semaphore, #tpu.memory_space<semaphore_mem>>) src(%dma_wait3A_34 : memref<512x64xf32, #tpu.memory_space<vmem>>) dst(%dma_wait3A_30 : memref<512x64xf32, #tpu.memory_space<hbm>>)
    return
  }
}

</mosaic_0001>

<sc_bundles>
// kernel: kernel.3.cloned.1.call-start
scs
__scs_entry_jumppad:
0x0: {  	(pc) =	sbr.rel $0x88, $3  }
0x1: {  	(tag) =	ssettag $0x0;
	lr =	simm.s32 $0x1  }
0x2: {  	[smem:$0x3F9E] =	sst lr;
	_ =	strace $0xD0000000  }
0x3: {  	_ = 	snop  }
0x4: {  	_ = 	snop  }
0x5: {  	_ = 	snop  }
0x6: {  	_ = 	snop  }
0x7: {  	_ = 	snop  }
__scs_overlays_trampoline_lowered:
0x8: {  	[smem:$0x3FAD] =	sst s0  }
0x9: {  	[smem:$0x3FAE] =	sst s1  }
0xa: {  	[smem:$0x3FAF] =	sst s2  }
0xb: {  	[smem:$0x3FB0] =	sst s3  }
0xc: {  	[smem:$0x3FB1] =	sst s4  }
0xd: {  	[smem:$0x3FB2] =	sst s5  }
0xe: {  	[smem:$0x3FB3] =	sst s6  }
0xf: {  	[smem:$0x3FB4] =	sst s7  }
0x10: {  	[smem:$0x3FB5] =	sst s8  }
0x11: {  	[smem:$0x3FB6] =	sst s9;
	s0 =	simm.s32 @!p0 $0x0  }
0x12: {  	s1 =	sld [smem:$0x3F9C];
	s0 =	simm.s32 @p0 $0x1  }
0x13: {  	[smem:$0x3FB7] =	sst s0;
	s0 =	simm.s32 @!p1 $0x0  }
0x14: {  	s2 =	sld [smem:$0x3F9B];
	s0 =	simm.s32 @p1 $0x1  }
0x15: {  	[smem:$0x3FB8] =	sst s0;
	s0 =	simm.s32 @!p2 $0x0  }
0x16: {  	s3 =	sld [smem:$0x3FDB];
	s0 =	simm.s32 @p2 $0x1  }
0x17: {  	s4 =	simm.s32 $0x1BF5;
	[smem:$0x3FBA] =	sst s0  }
0x18: {  	s0 =	sld [smem:$0x3F9D];
	_ =	swait.ge [sflag:s4], $0x0  }
0x19: {  	s7 =	sld [smem:$0x3F9E]  }
0x1a: {  	s8 =	sadd.s32 $0xFFFFE003, lr  }
0x1b: {  	s9 =	sadd.s32 $0xFFFFFEF7, lr;
	s5 =	simm.s32 $0xFFFFFFFF;
	p2 =	slt.u32 s8, $0xFFFFF086  }
0x1c: {  	p1 =	slt.u32 s9, $0xF7A;
	s5 =	simm.s32 @!p2 $0x0  }
0x1d: {  	s5 =	simm.s32 @p1 $0x1;
	p0 =	seq.s32 s7, s2  }
0x1e: {  	s7 =	smul.u32 @!p0 $0xF7A, s2;
	p2 =	seq.s32 @!p0 s5, $0x0  }
0x1f: {  	s9 =	smul.u32 $0xF7A, s1;
	s8 =	simm.s32 @!p0 $0x1BF5;
	p2 =	por !p2, p0  }
0x20: {  	[sflag:s8] =	ssyncset.s32 @!p0 $0xFFFFF086;
	s6 =	sadd.s32 @!p0 s3, s7;
	s7 =	simm.s32 @!p0 $0x108  }
0x21: {  	s3 =	sadd.s32 s3, s9;
	s6 =	sadd.s32 @!p0 $0x88, s6;
	s7 =	simm.s32 @p2 $0x1082  }
0x22: {  	[simem:s7], [sflag:s8] =	dma.local @!p0 [hbm:s6], $0xF7A  }
0x23: {  	s9 =	sor.u32 $0xD0000000, s2;
	s6 =	simm.s32 $0x108;
	_ =	swait.ge @!p0 [sflag:s8], $0x0  }
0x24: {  	s3 =	sadd.s32 $0x88, s3;
	s6 =	simm.s32 @!p1 $0x1082;
	[sflag:s4] =	ssyncset.s32 $0xFFFFF086  }
0x25: {  	[simem:s6], [sflag:s4] =	dma.local [hbm:s3], $0xF7A  }
0x26: {  	[smem:$0x3F9E] =	sst s1;
	(tag) =	ssettag s2;
	_ =	strace s9  }
0x27: {  	s1 =	sld [smem:$0x3FAE]  }
0x28: {  	s2 =	sld [smem:$0x3FAF]  }
0x29: {  	s4 =	sld [smem:$0x3FB1]  }
0x2a: {  	p0 =	seq.s32 s5, $0x0;
	s5 =	sld [smem:$0x3FB2]  }
0x2b: {  	s6 =	sld [smem:$0x3FB3]  }
0x2c: {  	s7 =	sld [smem:$0x3FB4]  }
0x2d: {  	s3 =	simm.s32 $0x108;
	s8 =	sld [smem:$0x3FB5]  }
0x2e: {  	s3 =	simm.s32 @!p0 $0x1082;
	s9 =	sld [smem:$0x3FB6]  }
0x2f: {  	lr =	sadd.s32 s0, s3;
	s0 =	sld [smem:$0x3FAD]  }
0x30: {  	s3 =	sld [smem:$0x3FB0]  }
0x31: {  	[smem:$0x3FB9] =	sst s10  }
0x32: {  	s10 =	sld [smem:$0x3FB7];
	_ =	sdelay $0x3  }
0x33: {  	p0 =	seq.s32 s10, $0x1;
	s10 =	sld [smem:$0x3FB9];
	_ =	sdelay $0x3  }
0x34: {  	[smem:$0x3FB9] =	sst s10  }
0x35: {  	s10 =	sld [smem:$0x3FB8];
	_ =	sdelay $0x3  }
0x36: {  	p1 =	seq.s32 s10, $0x1;
	s10 =	sld [smem:$0x3FB9];
	_ =	sdelay $0x3  }
0x37: {  	[smem:$0x3FB9] =	sst s10  }
0x38: {  	s10 =	sld [smem:$0x3FBA]  }
0x39: {  	_ = 	snop;
	(pc) =	sbr.ind lr, $3  }
0x3a: {  	_ = 	snop  }
0x3b: {  	_ = 	snop  }
0x3c: {  	p2 =	seq.s32 s10, $0x1;
	s10 =	sld [smem:$0x3FB9]  }
0x3d: {  	_ =	shalt  }
0x3e: {  	_ =	shalt  }
0x3f: {  	_ =	shalt  }
0x40: {  	_ =	shalt  }
0x41: {  	_ =	shalt  }
0x42: {  	_ =	shalt  }
0x43: {  	_ =	shalt  }
0x44: {  	_ =	shalt  }
0x45: {  	_ =	shalt  }
0x46: {  	_ =	shalt  }
0x47: {  	_ =	shalt  }
0x48: {  	_ =	shalt  }
0x49: {  	_ =	shalt  }
0x4a: {  	_ =	shalt  }
0x4b: {  	_ =	shalt  }
0x4c: {  	_ =	shalt  }
0x4d: {  	_ =	shalt  }
0x4e: {  	_ =	shalt  }
0x4f: {  	_ =	shalt  }
0x50: {  	_ =	shalt  }
0x51: {  	_ =	shalt  }
0x52: {  	_ =	shalt  }
0x53: {  	_ =	shalt  }
0x54: {  	_ =	shalt  }
0x55: {  	_ =	shalt  }
0x56: {  	_ =	shalt  }
0x57: {  	_ =	shalt  }
0x58: {  	_ =	shalt  }
0x59: {  	_ =	shalt  }
0x5a: {  	_ =	shalt  }
0x5b: {  	_ =	shalt  }
0x5c: {  	_ =	shalt  }
0x5d: {  	_ =	shalt  }
0x5e: {  	_ =	shalt  }
0x5f: {  	_ =	shalt  }
0x60: {  	_ =	shalt  }
0x61: {  	_ =	shalt  }
0x62: {  	_ =	shalt  }
0x63: {  	_ =	shalt  }
0x64: {  	_ =	shalt  }
0x65: {  	_ =	shalt  }
0x66: {  	_ =	shalt  }
0x67: {  	_ =	shalt  }
0x68: {  	_ =	shalt  }
0x69: {  	_ =	shalt  }
0x6a: {  	_ =	shalt  }
0x6b: {  	_ =	shalt  }
0x6c: {  	_ =	shalt  }
0x6d: {  	_ =	shalt  }
0x6e: {  	_ =	shalt  }
0x6f: {  	_ =	shalt  }
0x70: {  	_ =	shalt  }
0x71: {  	_ =	shalt  }
0x72: {  	_ =	shalt  }
0x73: {  	_ =	shalt  }
0x74: {  	_ =	shalt  }
0x75: {  	_ =	shalt  }
0x76: {  	_ =	shalt  }
0x77: {  	_ =	shalt  }
0x78: {  	_ =	shalt  }
0x79: {  	_ =	shalt  }
0x7a: {  	_ =	shalt  }
0x7b: {  	_ =	shalt  }
0x7c: {  	_ =	shalt  }
0x7d: {  	_ =	shalt  }
0x7e: {  	_ =	shalt  }
0x7f: {  	_ =	shalt  }
0x80: {  	_ =	shalt  }
0x81: {  	_ =	shalt  }
0x82: {  	_ =	shalt  }
0x83: {  	_ =	shalt  }
0x84: {  	_ =	shalt  }
0x85: {  	_ =	shalt  }
0x86: {  	_ =	shalt  }
0x87: {  	_ =	shalt  }
.Lfunc_end0:
.L_simem_size_0:
called_computation.1_lowered:
.L_overlay_start_0:
0x88: {  	s2 =	sld [smem:$0x3FD9]  }
0x89: {  	s3 =	sld [smem:$0x3FFE];
	_ =	sdelay $0x1  }
0x8a: {  	s1 =	srdreg.scid  }
0x8b: {  	s0 =	sand.u32 $0x1, s1  }
0x8c: {  	s17 =	sshll.u32 s0, $0xA;
	s2 =	sadd.s32 s3, s2  }
0x8d: {  	s2 =	sadd.s32 s2, s17  }
0x8e: {  	[smem:$0x3FC5] =	sst s2  }
0x8f: {  	_ = 	snop  }
0x90: {  	s2 =	sld [smem:$0x3FD0];
	(tm) =	ssettm $0x1  }
0x91: {  	s18 =	sld [smem:$0x3FFB];
	_ =	sdelay $0x3  }
0x92: {  	_ =	strace s18  }
0x93: {  	s3 =	sld [smem:$0x3FFC];
	_ =	sdelay $0x3  }
0x94: {  	_ =	strace s3  }
0x95: {  	s3 =	sld [smem:$0x3FFD];
	_ =	sdelay $0x3  }
0x96: {  	_ =	strace s3  }
0x97: {  	_ =	strace $0x8FFFFFFF  }
0x98: {  	s19 =	sld [smem:$0x3FDB];
	_ =	sdelay $0x1  }
0x99: {  	s4 =	simm.s32 $_scs_section_size  }
0x9a: {  	s5 =	simm.s32 $_size__tile_overlayer_lowered;
	s6 =	simm.s32 $_tile_overlayer_lowered  }
0x9b: {  	s22 =	simm.s32 $0x1BFF;
	s21 =	sshll.u32 s6, $0x1;
	s3 =	sadd.s32 s4, s19  }
0x9c: {  	s7 =	simm.s32 $0x0;
	s20 =	sshll.u32 s5, $0x1;
	s5 =	sadd.s32 s21, s3  }
0x9d: {  	[timem:s7], [sflag:s22] =	dma.local [hbm:s5], s20  }
0x9e: {  	_ =	swait.ge [sflag:s22], s20  }
0x9f: {  	s4 =	ssub.s32 $0x0, s20;
	[sflag:s22] =	ssyncset.done $0x0  }
0xa0: {  	[sflag:s22] =	ssyncadd.s32 s4;
	_ =	sdelay $0x1  }
0xa1: {  	s23 =	simm.s32 $0x1B8B  }
0xa2: {  	_ =	swait.ge [sflag:s23], $0x1  }
0xa3: {  	[sflag:s23] =	ssyncset.done $0x0  }
0xa4: {  	s25 =	simm.s32 $0x1B8E;
	s24 =	sld [smem:$0x3FFE];
	[sflag:s23] =	ssyncadd.s32 $0xFFFFFFFF  }
0xa5: {  	s26 =	simm.s32 $execute0_lowered;
	[smem:$0x3FD2] =	sst s25  }
0xa6: {  	s5 =	sshll.u32 s26, $0x1;
	_ =	strace $0x80000046;
	[dreg:$0x1] =	wrdreg $0xFFFFFFFF  }
0xa7: {  	s28 =	simm.s32 $_size_execute0_lowered;
	s3 =	sadd.s32 s3, s5;
	[dreg:$0x0] =	wrdreg $0x0  }
0xa8: {  	s5 =	sshll.u32 s28, $0x1;
	[dreg:$0x2] =	wrdreg s3  }
0xa9: {  	[dreg:$0x3] =	wrdreg s5  }
0xaa: {  	[dreg:$0x4] =	wrdreg $0xC0  }
0xab: {  	_ =	task [dreg:s7], $0x5FFFF  }
0xac: {  	[dreg:$0x1] =	wrdreg $0xFFFFFFFF  }
0xad: {  	[dreg:$0x0] =	wrdreg $0x60  }
0xae: {  	[dreg:$0x2] =	wrdreg s24  }
0xaf: {  	[dreg:$0x3] =	wrdreg s2  }
0xb0: {  	[dreg:$0x4] =	wrdreg $0x9  }
0xb1: {  	_ =	task.clear_ibuf [dreg:s7], $0x5FFFF;
	_ =	strace $0x90000046  }
0xb2: {  	s29 =	simm.s32 $0x9;
	_ =	strace $0x80000048  }
0xb3: {  	_ =	swait.ge [sflag:s29], $0x1  }
0xb4: {  	[sflag:s29] =	ssyncadd.s32 $0xFFFFFFFF  }
0xb5: {  	_ =	strace $0x90000048  }
0xb6: {  	_ =	sfence  }
0xb7: {  	s30 =	sld [smem:$0x0];
	_ =	sdelay $0x2  }
0xb8: {  	s31 =	sshll.u32 s1, $0xD;
	s1 =	sshrl.u32 s1, $0x2  }
0xb9: {  	s3 =	sand.u32 $0x4000, s31;
	s1 =	sadd.s32 s1, s30  }
0xba: {  	s0 =	sor.u32 s3, s0;
	s1 =	sshll.u32 s1, $0x11  }
0xbb: {  	s0 =	sor.u32 s1, s0  }
0xbc: {  	s0 =	sadd.s32 $0x8F2B, s0  }
0xbd: {  	[sflag:s0] =	ssyncadd.remote.s32 $0x1  }
0xbe: {  	_ =	sfence.sel $0xFFFF  }
0xbf: {  	[dreg:$0x0] =	wrdreg $0xFFFFFFFF;
	(pc) =	sbr.abs _section_cstart, $3  }
0xc0: {  	[dreg:$0x1] =	wrdreg $0xFFFFFFFF  }
0xc1: {  	_ =	task.clear_ibuf [dreg:s7], $0x2FFFF;
	_ =	strace $0x9FFFFFFF  }
0xc2: {  	(tm) =	ssettm $0x7FFFFFFF  }
0xc3: {  	_ =	shalt  }
tec
execute0_lowered:
.L_overlay_start_1:
0x0: {  	(tag) =	ssettag $0x1  }
0x1: {  	s6 =	rddreg [dreg:$0x0]  }
0x2: {  	s1 =	rddreg [dreg:$0x1]  }
0x3: {  	s0 =	rddreg [dreg:$0x2]  }
0x4: {  	s2 =	simm.s32 $0x0;
	s3 =	srdreg.scid;
	s11 =	simm.s32 $0x5000  }
0x5: {  	s12 =	simm.s32 $0x1;
	s13 =	simm.s32 $0x0;
	[smem:$0x7FF] =	sst s2  }
0x6: {  	s4 =	sadd.s32 $0x1000, s6;
	s7 =	sand.u32 $0x1, s3;
	s5 =	sadd.s32 $0x800, s6  }
0x7: {  	s3 =	stileid.u32;
	s6 =	sadd.s32 $0x1200, s6;
	s8 =	ssub.s32 $0x2, s7  }
0x8: {  	s10 =	sshll.u32 s3, $0xF;
	s7 =	sshll.u32 s7, $0xE;
	s9 =	sshrl.u32 s8, $0x1  }
0x9: {  	v0 =	vlaneseq.u32;
	_ =	strace $0x80000047;
	s7 =	sor.u32 s7, s10;
	s8 =	ssub.s32 s8, s9  }
0xa: {  	v1 =	vor.u32 $0x10, v0;
	v2 =	vor.u32 $0x20, v0;
	v3 =	vor.u32 $0x30, v0;
	s10 =	simm.s32 $0x1000;
	s9 =	simm.s32 $0x2;
	s8 =	smax.u32 s8, $0x1  }
.LBB2_1:
0xb: {  	[tilespmem:s2], [sflag:$0x2] =	stream.linear.gather [hbm4b:s4+s2], $0x1000, $0x38;
	[tilespmem:$0x19040] =	vst v63  }
0xc: {  	_ =	swait.ge [sflag:s9], $0x1000  }
0xd: {  	[sflag:s9] =	ssyncset.done $0x0  }
0xe: {  	[sflag:s9] =	ssyncadd.s32 $0xFFFFF000  }
0xf: {  	[tilespmem:s10], [sflag:$0x2] =	stream.linear.gather [hbm4b:s5+s2], $0x4000, $0x38;
	[tilespmem:$0x19040] =	vst v63  }
0x10: {  	_ =	swait.ge [sflag:s9], $0x4000  }
0x11: {  	[sflag:s9] =	ssyncset.done $0x0  }
0x12: {  	[sflag:s9] =	ssyncadd.s32 $0xFFFFC000  }
0x13: {  	[tilespmem:s11], [sflag:$0x2] =	stream.linear.gather [hbm4b:s6+s2], $0x4040, $0x38;
	[tilespmem:$0x19040] =	vst v63  }
0x14: {  	_ =	swait.ge [sflag:s9], $0x4040  }
0x15: {  	p0 =	por $0x0, $0x0;
	[sflag:s9] =	ssyncset.done $0x0  }
0x16: {  	s14 =	simm.s32 $0x0;
	s15 =	simm.s32 $0x0;
	[sflag:s9] =	ssyncadd.s32 $0xFFFFBFC0  }
.LBB2_2:
0x17: {  	s17 =	sshll.u32 s15, $0x9  }
0x18: {  	s16 =	sadd.s32 s7, s17;
	s17 =	sand.u32 $0x600, s17  }
0x19: {  	p1 =	seq.s32 s16, $0x0;
	p2 =	sne.s32 s17, $0x0  }
0x1a: {  	p1 =	por !p1, !p2  }
0x1b: {  	s17 =	simm.s32 $0x1;
	p1 =	por !p1, !p1  }
0x1c: {  	s18 =	sshrl.u32 s16, $0xB;
	s17 =	simm.s32 @!p1 $0x0  }
0x1d: {  	s17 =	ssub.s32 s18, s17  }
0x1e: {  	s28 =	sand.u32 $0x1F, s17  }
0x1f: {  	s19 =	sand.u32 $0x3, s14;
	p5 =	slt.s32 s17, $0x1;
	p6 =	sne.s32 s28, $0x0  }
0x20: {  	s21 =	simm.s32 $0xFFFFFFFF;
	s29 =	sshrl.u32 s17, $0x1B;
	p1 =	por !p5, !p6  }
0x21: {  	s26 =	sshll.u32 s19, $0xB;
	s19 =	sadd.s32 s29, s17;
	p1 =	por !p1, !p1  }
0x22: {  	s19 =	sshra.s32 s19, $0x5;
	s21 =	simm.s32 @!p1 $0x0  }
0x23: {  	s19 =	sshll.u32 s19, $0xD;
	s21 =	sshll.u32 s21, $0xD  }
0x24: {  	s20 =	simm.s32 $0x1;
	s19 =	sadd.s32 s21, s19  }
0x25: {  	s20 =	simm.s32 @!p0 $0x0;
	s18 =	sor.u32 s26, s19  }
0x26: {  	s20 =	sshll.u32 s20, $0xF;
	s18 =	sshra.s32 s18, $0x2  }
0x27: {  	s17 =	sshll.u32 s17, $0x6;
	p1 =	slt.u32 s15, $0x2;
	s31 =	sadd.s32 $0x1000, s18  }
0x28: {  	s22 =	sshra.s32 s17, $0x2;
	s17 =	sadd.s32 $0x9240, s20;
	s20 =	simm.s32 @!p1 $0x1;
	v5 =	vmov s31  }
0x29: {  	s30 =	sshll.u32 s15, $0xF;
	v4 =	vld [tilespmem:s22+$0x0];
	_ =	swait.ge @!p1 [sflag:s20], $0x8000  }
0x2a: {  	[sflag:s20] =	ssyncset.done @!p1 $0x0;
	s19 =	sand.u32 $0x8000, s30  }
0x2b: {  	[sflag:s20] =	ssyncadd.s32 @!p1 $0xFFFF8000;
	s18 =	sadd.s32 $0x9040, s19;
	s19 =	simm.s32 $0x0  }
.LBB2_3:
0x2c: {  	s20 =	sshra.s32 s19, $0x2  }
0x2d: {  	v6 =	vld.idx.msk [tilespmem:v5+s20+$0x0 ss:$0x1], $0xffff;
	_ =	sdelay $0x4  }
0x2e: {  	v6 =	vsub.s32 v6, v4  }
0x2f: {  	vm0 =	vgt.s32 v6, $0xFFFFFF80  }
0x30: {  	v6 =	vnsel vm0, $0xFFFFFF80, v6  }
0x31: {  	vm0 =	vlt.s32 v6, $0x80  }
0x32: {  	v6 =	vnsel vm0, $0x80, v6  }
0x33: {  	v6 =	vshll.u32 v6, $0x6  }
0x34: {  	v6 =	vadd.s32 $0x2000, v6  }
0x35: {  	v7 =	vbroadcast v6, $0x0;
	_ =	sdelay $0x1  }
0x36: {  	v8 =	vor.u32 v0, v7  }
0x37: {  	v9 =	vor.u32 v1, v7  }
0x38: {  	v10 =	vbroadcast v6, $0x1;
	v11 =	vor.u32 v2, v7  }
0x39: {  	v7 =	vor.u32 v3, v7  }
0x3a: {  	v12 =	vor.u32 v0, v10  }
0x3b: {  	v13 =	vor.u32 v1, v10;
	v8 =	vld.idx.msk [tilespmem:v8+s11+$0x0], $0xffff  }
0x3c: {  	v14 =	vbroadcast v6, $0x2;
	v15 =	vor.u32 v2, v10;
	v9 =	vld.idx.msk [tilespmem:v9+s11+$0x0], $0xffff  }
0x3d: {  	v10 =	vor.u32 v3, v10;
	v11 =	vld.idx.msk [tilespmem:v11+s11+$0x0], $0xffff  }
0x3e: {  	v16 =	vor.u32 v0, v14;
	v7 =	vld.idx.msk [tilespmem:v7+s11+$0x0], $0xffff  }
0x3f: {  	v17 =	vor.u32 v1, v14;
	v12 =	vld.idx.msk [tilespmem:v12+s11+$0x0], $0xffff  }
0x40: {  	v18 =	vbroadcast v6, $0x3;
	v19 =	vor.u32 v2, v14;
	v13 =	vld.idx.msk [tilespmem:v13+s11+$0x0], $0xffff  }
0x41: {  	v14 =	vor.u32 v3, v14;
	v15 =	vld.idx.msk [tilespmem:v15+s11+$0x0], $0xffff  }
0x42: {  	v20 =	vor.u32 v0, v18;
	v10 =	vld.idx.msk [tilespmem:v10+s11+$0x0], $0xffff  }
0x43: {  	v21 =	vor.u32 v1, v18;
	v16 =	vld.idx.msk [tilespmem:v16+s11+$0x0], $0xffff  }
0x44: {  	v22 =	vor.u32 v2, v18;
	v17 =	vld.idx.msk [tilespmem:v17+s11+$0x0], $0xffff  }
0x45: {  	v18 =	vor.u32 v3, v18;
	v19 =	vld.idx.msk [tilespmem:v19+s11+$0x0], $0xffff  }
0x46: {  	v14 =	vld.idx.msk [tilespmem:v14+s11+$0x0], $0xffff  }
0x47: {  	v20 =	vld.idx.msk [tilespmem:v20+s11+$0x0], $0xffff  }
0x48: {  	v21 =	vld.idx.msk [tilespmem:v21+s11+$0x0], $0xffff  }
0x49: {  	v22 =	vld.idx.msk [tilespmem:v22+s11+$0x0], $0xffff  }
0x4a: {  	v18 =	vld.idx.msk [tilespmem:v18+s11+$0x0], $0xffff;
	[tilespmem:s17+$0xFFFFFE00] =	vst v8  }
0x4b: {  	[tilespmem:s17+$0xFFFFFE10] =	vst v9  }
0x4c: {  	[tilespmem:s17+$0xFFFFFE20] =	vst v11  }
0x4d: {  	[tilespmem:s17+$0xFFFFFE30] =	vst v7  }
0x4e: {  	[tilespmem:s17+$0xFFFFFE40] =	vst v12  }
0x4f: {  	[tilespmem:s17+$0xFFFFFE50] =	vst v13  }
0x50: {  	[tilespmem:s17+$0xFFFFFE60] =	vst v15  }
0x51: {  	[tilespmem:s17+$0xFFFFFE70] =	vst v10  }
0x52: {  	[tilespmem:s17+$0xFFFFFE80] =	vst v16  }
0x53: {  	v26 =	vbroadcast v6, $0x6;
	[tilespmem:s17+$0xFFFFFE90] =	vst v17  }
0x54: {  	[tilespmem:s17+$0xFFFFFEA0] =	vst v19  }
0x55: {  	v30 =	vbroadcast v6, $0x7;
	v28 =	vor.u32 v0, v26;
	[tilespmem:s17+$0xFFFFFEB0] =	vst v14  }
0x56: {  	v29 =	vor.u32 v1, v26;
	[tilespmem:s17+$0xFFFFFEC0] =	vst v20  }
0x57: {  	v34 =	vor.u32 v2, v30;
	[tilespmem:s17+$0xFFFFFED0] =	vst v21  }
0x58: {  	v33 =	vor.u32 v1, v30;
	[tilespmem:s17+$0xFFFFFEE0] =	vst v22  }
0x59: {  	v7 =	vbroadcast v6, $0x4;
	[tilespmem:s17+$0xFFFFFEF0] =	vst v18;
	v14 =	vor.u32 v3, v26  }
0x5a: {  	v21 =	vbroadcast v6, $0x5;
	v18 =	vor.u32 v3, v30;
	v16 =	vld.idx.msk [tilespmem:v28+s11+$0x0], $0xffff  }
0x5b: {  	v17 =	vld.idx.msk [tilespmem:v29+s11+$0x0], $0xffff;
	v19 =	vor.u32 v0, v7  }
0x5c: {  	v22 =	vld.idx.msk [tilespmem:v34+s11+$0x0], $0xffff;
	v20 =	vor.u32 v1, v7;
	v23 =	vor.u32 v2, v7;
	v24 =	vor.u32 v0, v21  }
0x5d: {  	v25 =	vor.u32 v1, v21;
	v27 =	vor.u32 v2, v21;
	v10 =	vor.u32 v3, v21;
	v21 =	vld.idx.msk [tilespmem:v33+s11+$0x0], $0xffff  }
0x5e: {  	v7 =	vor.u32 v3, v7;
	v14 =	vld.idx.msk [tilespmem:v14+s11+$0x0], $0xffff  }
0x5f: {  	v18 =	vld.idx.msk [tilespmem:v18+s11+$0x0], $0xffff  }
0x60: {  	v8 =	vld.idx.msk [tilespmem:v19+s11+$0x0], $0xffff  }
0x61: {  	v9 =	vld.idx.msk [tilespmem:v20+s11+$0x0], $0xffff  }
0x62: {  	v11 =	vld.idx.msk [tilespmem:v23+s11+$0x0], $0xffff  }
0x63: {  	v31 =	vor.u32 v2, v26;
	v7 =	vld.idx.msk [tilespmem:v7+s11+$0x0], $0xffff  }
0x64: {  	v32 =	vor.u32 v0, v30;
	v12 =	vld.idx.msk [tilespmem:v24+s11+$0x0], $0xffff  }
0x65: {  	v13 =	vld.idx.msk [tilespmem:v25+s11+$0x0], $0xffff  }
0x66: {  	v15 =	vld.idx.msk [tilespmem:v27+s11+$0x0], $0xffff  }
0x67: {  	v10 =	vld.idx.msk [tilespmem:v10+s11+$0x0], $0xffff  }
0x68: {  	v19 =	vld.idx.msk [tilespmem:v31+s11+$0x0], $0xffff  }
0x69: {  	v20 =	vld.idx.msk [tilespmem:v32+s11+$0x0], $0xffff;
	[tilespmem:s17+$0xFFFFFF80] =	vst v16  }
0x6a: {  	[tilespmem:s17+$0xFFFFFF90] =	vst v17  }
0x6b: {  	[tilespmem:s17+$0xFFFFFFD0] =	vst v21  }
0x6c: {  	[tilespmem:s17+$0xFFFFFFE0] =	vst v22  }
0x6d: {  	[tilespmem:s17+$0xFFFFFFB0] =	vst v14  }
0x6e: {  	[tilespmem:s17+$0xFFFFFFF0] =	vst v18  }
0x6f: {  	[tilespmem:s17+$0xFFFFFF00] =	vst v8  }
0x70: {  	[tilespmem:s17+$0xFFFFFF10] =	vst v9  }
0x71: {  	[tilespmem:s17+$0xFFFFFF20] =	vst v11  }
0x72: {  	v37 =	vbroadcast v6, $0x9;
	[tilespmem:s17+$0xFFFFFF30] =	vst v7  }
0x73: {  	[tilespmem:s17+$0xFFFFFF40] =	vst v12  }
0x74: {  	v39 =	vor.u32 v0, v37;
	[tilespmem:s17+$0xFFFFFF50] =	vst v13  }
0x75: {  	v41 =	vbroadcast v6, $0xA;
	v40 =	vor.u32 v1, v37;
	[tilespmem:s17+$0xFFFFFF60] =	vst v15  }
0x76: {  	v42 =	vor.u32 v2, v37;
	[tilespmem:s17+$0xFFFFFF70] =	vst v10  }
0x77: {  	v43 =	vor.u32 v0, v41;
	[tilespmem:s17+$0xFFFFFFA0] =	vst v19  }
0x78: {  	v45 =	vbroadcast v6, $0xB;
	v44 =	vor.u32 v1, v41;
	[tilespmem:s17+$0xFFFFFFC0] =	vst v20  }
0x79: {  	v46 =	vor.u32 v2, v41;
	v12 =	vld.idx.msk [tilespmem:v39+s11+$0x0], $0xffff  }
0x7a: {  	v47 =	vor.u32 v0, v45;
	v13 =	vld.idx.msk [tilespmem:v40+s11+$0x0], $0xffff  }
0x7b: {  	v48 =	vor.u32 v1, v45;
	v15 =	vld.idx.msk [tilespmem:v42+s11+$0x0], $0xffff  }
0x7c: {  	v49 =	vor.u32 v2, v45;
	v16 =	vld.idx.msk [tilespmem:v43+s11+$0x0], $0xffff  }
0x7d: {  	v14 =	vor.u32 v3, v41;
	v17 =	vld.idx.msk [tilespmem:v44+s11+$0x0], $0xffff  }
0x7e: {  	v18 =	vor.u32 v3, v45;
	v7 =	vbroadcast v6, $0x8;
	v19 =	vld.idx.msk [tilespmem:v46+s11+$0x0], $0xffff  }
0x7f: {  	v10 =	vor.u32 v3, v37;
	v20 =	vld.idx.msk [tilespmem:v47+s11+$0x0], $0xffff  }
0x80: {  	v21 =	vld.idx.msk [tilespmem:v48+s11+$0x0], $0xffff;
	v35 =	vor.u32 v0, v7  }
0x81: {  	v22 =	vld.idx.msk [tilespmem:v49+s11+$0x0], $0xffff;
	v36 =	vor.u32 v1, v7  }
0x82: {  	v38 =	vor.u32 v2, v7;
	v14 =	vld.idx.msk [tilespmem:v14+s11+$0x0], $0xffff  }
0x83: {  	v7 =	vor.u32 v3, v7;
	v18 =	vld.idx.msk [tilespmem:v18+s11+$0x0], $0xffff  }
0x84: {  	v10 =	vld.idx.msk [tilespmem:v10+s11+$0x0], $0xffff  }
0x85: {  	v8 =	vld.idx.msk [tilespmem:v35+s11+$0x0], $0xffff  }
0x86: {  	v9 =	vld.idx.msk [tilespmem:v36+s11+$0x0], $0xffff  }
0x87: {  	v11 =	vld.idx.msk [tilespmem:v38+s11+$0x0], $0xffff  }
0x88: {  	v7 =	vld.idx.msk [tilespmem:v7+s11+$0x0], $0xffff;
	[tilespmem:s17+$0x40] =	vst v12  }
0x89: {  	[tilespmem:s17+$0x50] =	vst v13  }
0x8a: {  	[tilespmem:s17+$0x60] =	vst v15  }
0x8b: {  	[tilespmem:s17+$0x80] =	vst v16  }
0x8c: {  	[tilespmem:s17+$0x90] =	vst v17  }
0x8d: {  	[tilespmem:s17+$0xA0] =	vst v19  }
0x8e: {  	[tilespmem:s17+$0xC0] =	vst v20  }
0x8f: {  	[tilespmem:s17+$0xD0] =	vst v21  }
0x90: {  	[tilespmem:s17+$0xE0] =	vst v22  }
0x91: {  	v52 =	vbroadcast v6, $0xD;
	[tilespmem:s17+$0xB0] =	vst v14  }
0x92: {  	[tilespmem:s17+$0xF0] =	vst v18  }
0x93: {  	v54 =	vor.u32 v0, v52;
	[tilespmem:s17+$0x70] =	vst v10  }
0x94: {  	v56 =	vbroadcast v6, $0xE;
	v55 =	vor.u32 v1, v52;
	[tilespmem:s17+$0x0] =	vst v8  }
0x95: {  	v57 =	vor.u32 v2, v52;
	[tilespmem:s17+$0x10] =	vst v9  }
0x96: {  	v58 =	vor.u32 v0, v56;
	[tilespmem:s17+$0x20] =	vst v11  }
0x97: {  	v59 =	vor.u32 v1, v56;
	[tilespmem:s17+$0x30] =	vst v7  }
0x98: {  	v60 =	vor.u32 v2, v56;
	v12 =	vld.idx.msk [tilespmem:v54+s11+$0x0], $0xffff  }
0x99: {  	v14 =	vor.u32 v3, v56;
	v7 =	vbroadcast v6, $0xC;
	v13 =	vld.idx.msk [tilespmem:v55+s11+$0x0], $0xffff  }
0x9a: {  	v10 =	vor.u32 v3, v52;
	v15 =	vld.idx.msk [tilespmem:v57+s11+$0x0], $0xffff  }
0x9b: {  	v16 =	vld.idx.msk [tilespmem:v58+s11+$0x0], $0xffff;
	v50 =	vor.u32 v0, v7  }
0x9c: {  	v17 =	vld.idx.msk [tilespmem:v59+s11+$0x0], $0xffff;
	v51 =	vor.u32 v1, v7  }
0x9d: {  	v6 =	vbroadcast v6, $0xF;
	v18 =	vld.idx.msk [tilespmem:v60+s11+$0x0], $0xffff;
	v53 =	vor.u32 v2, v7  }
0x9e: {  	v14 =	vld.idx.msk [tilespmem:v14+s11+$0x0], $0xffff;
	v7 =	vor.u32 v3, v7  }
0x9f: {  	v61 =	vor.u32 v0, v6;
	v10 =	vld.idx.msk [tilespmem:v10+s11+$0x0], $0xffff  }
0xa0: {  	v62 =	vor.u32 v1, v6;
	v8 =	vld.idx.msk [tilespmem:v50+s11+$0x0], $0xffff  }
0xa1: {  	v63 =	vor.u32 v2, v6;
	v9 =	vld.idx.msk [tilespmem:v51+s11+$0x0], $0xffff  }
0xa2: {  	v6 =	vor.u32 v3, v6;
	v11 =	vld.idx.msk [tilespmem:v53+s11+$0x0], $0xffff  }
0xa3: {  	v7 =	vld.idx.msk [tilespmem:v7+s11+$0x0], $0xffff  }
0xa4: {  	v19 =	vld.idx.msk [tilespmem:v61+s11+$0x0], $0xffff  }
0xa5: {  	v20 =	vld.idx.msk [tilespmem:v62+s11+$0x0], $0xffff  }
0xa6: {  	v21 =	vld.idx.msk [tilespmem:v63+s11+$0x0], $0xffff  }
0xa7: {  	v6 =	vld.idx.msk [tilespmem:v6+s11+$0x0], $0xffff;
	[tilespmem:s17+$0x140] =	vst v12  }
0xa8: {  	[tilespmem:s17+$0x150] =	vst v13  }
0xa9: {  	[tilespmem:s17+$0x160] =	vst v15  }
0xaa: {  	[tilespmem:s17+$0x180] =	vst v16  }
0xab: {  	[tilespmem:s17+$0x190] =	vst v17  }
0xac: {  	[tilespmem:s17+$0x1A0] =	vst v18  }
0xad: {  	[tilespmem:s17+$0x1B0] =	vst v14  }
0xae: {  	[tilespmem:s17+$0x170] =	vst v10  }
0xaf: {  	[tilespmem:s17+$0x100] =	vst v8  }
0xb0: {  	[tilespmem:s17+$0x110] =	vst v9  }
0xb1: {  	p1 =	sne.s32 s19, $0x7C0;
	[tilespmem:s17+$0x120] =	vst v11  }
.Ltmp0:
0xb2: {  	[tilespmem:s17+$0x130] =	vst v7;
	(pc) =	sbr.rel @p1 .LBB2_3-.Ltmp0, $4  }
0xb3: {  	[tilespmem:s17+$0x1C0] =	vst v19  }
0xb4: {  	[tilespmem:s17+$0x1D0] =	vst v20  }
0xb5: {  	[tilespmem:s17+$0x1E0] =	vst v21  }
0xb6: {  	s19 =	sadd.s32 $0x40, s19;
	[tilespmem:s17+$0x1F0] =	vst v6;
	s17 =	sadd.s32 $0x400, s17  }
0xb7: {  	s15 =	sadd.s32 $0x1, s15  }
0xb8: {  	p1 =	sne.s32 s15, $0x20  }
.Ltmp1:
0xb9: {  	_ = 	snop;
	(pc) =	sbr.rel @p1 .LBB2_2-.Ltmp1, $4  }
0xba: {  	_ = 	snop  }
0xbb: {  	s16 =	sshll.u32 s16, $0x3  }
0xbc: {  	s14 =	sadd.s32 $0x1, s14;
	p0 =	por !p0, !p0;
	s16 =	sadd.s32 s1, s16  }
0xbd: {  	[hbm4b:s16+s2] =	stream.linear.scatter [tilespmem:s18], [sflag:$0x1], $0x8000, $0x38;
	[tilespmem:$0x19040] =	vst v63  }
0xbe: {  	s13 =	sadd.s32 $0x1, s13  }
0xbf: {  	_ =	swait.ge [sflag:s12], $0x8000;
	p0 =	sne.s32 s13, s8  }
.Ltmp2:
0xc0: {  	[sflag:s12] =	ssyncset.done $0x0;
	(pc) =	sbr.rel @p0 .LBB2_1-.Ltmp2, $4  }
0xc1: {  	[sflag:s12] =	ssyncadd.s32 $0xFFFF8000  }
0xc2: {  	_ =	swait.ge [sflag:s12], $0x8000  }
0xc3: {  	[sflag:s12] =	ssyncset.done $0x0  }
0xc4: {  	[sflag:s12] =	ssyncadd.s32 $0xFFFF8000  }
0xc5: {  	_ =	sfence.sel $0x180000  }
0xc6: {  	[bflag:$0x0] =	sbarrier.arrive $0xFFFF  }
0xc7: {  	p0 =	sne.s32 s3, $0x0;
	_ =	strace $0x90000047  }
0xc8: {  	s0 =	sadd.s32 @!p0 $0x100000, s0;
	[bflag:$0x2] =	sbarrier.arrive $0xFFFF  }
0xc9: {  	[sflag:s0] =	ssyncadd.tile.s32 @!p0 $0x1;
	_ =	shalt  }
.Lfunc_end2:
_tile_overlayer_lowered:
.L_overlay_start_2:
0xca: {  	(tag) =	ssettag $0x2  }
0xcb: {  	s0 =	rddreg [dreg:$0x0];
	s2 =	stileid.u32  }
0xcc: {  	s1 =	rddreg [dreg:$0x1];
	p0 =	sne.s32 s2, $0x0  }
0xcd: {  	s3 =	rddreg [dreg:$0x2];
	[bflag:$0x3] =	sbarrier.arrive $0xFFFF;
	s2 =	simm.s32 @!p0 $0x1C02  }
0xce: {  	[timem:s3], [sflag:s2] =	dma.local @!p0 [hbm:s0], s1  }
0xcf: {  	s0 =	simm.s32 @!p0 $0x2  }
0xd0: {  	_ =	swait.ge @!p0 [sflag:s0], s1  }
0xd1: {  	s1 =	ssub.s32 @!p0 $0x0, s1;
	[sflag:s0] =	ssyncset.done @!p0 $0x0  }
0xd2: {  	[sflag:s0] =	ssyncadd.s32 @!p0 s1  }
0xd3: {  	[bflag:$0x3] =	sbarrier.arrive $0xFFFF  }
0xd4: {  	_ =	shalt  }

// kernel: sparse-core-data-format-call.cloned.1.call-start
scs
called_computation_lowered:
.L_overlay_start_0:
0x0: {  	s2 =	sld [smem:$0x3FD9]  }
0x1: {  	s3 =	sld [smem:$0x3FFE];
	_ =	sdelay $0x1  }
0x2: {  	s1 =	srdreg.scid  }
0x3: {  	s0 =	sand.u32 $0x1, s1  }
0x4: {  	s18 =	sshll.u32 s0, $0xA;
	s2 =	sadd.s32 s3, s2  }
0x5: {  	s2 =	sadd.s32 s2, s18  }
0x6: {  	[smem:$0x3FC5] =	sst s2  }
0x7: {  	_ = 	snop  }
0x8: {  	s2 =	sld [smem:$0x3FD0];
	(tm) =	ssettm $0x1  }
0x9: {  	s19 =	sld [smem:$0x3FFB];
	_ =	sdelay $0x3  }
0xa: {  	_ =	strace s19  }
0xb: {  	s3 =	sld [smem:$0x3FFC];
	_ =	sdelay $0x3  }
0xc: {  	_ =	strace s3  }
0xd: {  	s3 =	sld [smem:$0x3FFD];
	_ =	sdelay $0x3  }
0xe: {  	_ =	strace s3  }
0xf: {  	_ =	strace $0x8FFFFFFF  }
0x10: {  	s20 =	sld [smem:$0x3FDB];
	_ =	sdelay $0x1  }
0x11: {  	s4 =	simm.s32 $_scs_section_size  }
0x12: {  	s5 =	simm.s32 $_size__tile_overlayer_lowered;
	s6 =	simm.s32 $_tile_overlayer_lowered  }
0x13: {  	s23 =	simm.s32 $0x1BFF;
	s22 =	sshll.u32 s6, $0x1;
	s3 =	sadd.s32 s4, s20  }
0x14: {  	s7 =	simm.s32 $0x0;
	s21 =	sshll.u32 s5, $0x1;
	s5 =	sadd.s32 s22, s3  }
0x15: {  	[timem:s7], [sflag:s23] =	dma.local [hbm:s5], s21  }
0x16: {  	_ =	swait.ge [sflag:s23], s21  }
0x17: {  	s4 =	ssub.s32 $0x0, s21;
	[sflag:s23] =	ssyncset.done $0x0  }
0x18: {  	[sflag:s23] =	ssyncadd.s32 s4;
	_ =	sdelay $0x1  }
0x19: {  	s24 =	simm.s32 $0x1B8B  }
0x1a: {  	_ =	swait.ge [sflag:s24], $0x1  }
0x1b: {  	[sflag:s24] =	ssyncset.done $0x0  }
0x1c: {  	s26 =	simm.s32 $0x1B8E;
	s25 =	sld [smem:$0x3FFE];
	[sflag:s24] =	ssyncadd.s32 $0xFFFFFFFF  }
0x1d: {  	s27 =	simm.s32 $execute0_lowered;
	[smem:$0x3FD2] =	sst s26  }
0x1e: {  	s5 =	sshll.u32 s27, $0x1;
	_ =	strace $0x80000049;
	[dreg:$0x1] =	wrdreg $0xFFFFFFFF  }
0x1f: {  	s28 =	simm.s32 $_size_execute0_lowered;
	s3 =	sadd.s32 s3, s5;
	[dreg:$0x0] =	wrdreg $0x0  }
0x20: {  	s5 =	sshll.u32 s28, $0x1;
	[dreg:$0x2] =	wrdreg s3  }
0x21: {  	[dreg:$0x3] =	wrdreg s5  }
0x22: {  	[dreg:$0x4] =	wrdreg $0xC0  }
0x23: {  	_ =	task [dreg:s7], $0x5FFFF  }
0x24: {  	[dreg:$0x1] =	wrdreg $0xFFFFFFFF  }
0x25: {  	[dreg:$0x0] =	wrdreg $0x60  }
0x26: {  	[dreg:$0x2] =	wrdreg s25  }
0x27: {  	[dreg:$0x3] =	wrdreg s2  }
0x28: {  	[dreg:$0x4] =	wrdreg $0x9  }
0x29: {  	_ =	task.clear_ibuf [dreg:s7], $0x5FFFF;
	_ =	strace $0x90000049  }
0x2a: {  	s29 =	simm.s32 $0x9;
	_ =	strace $0x8000004B  }
0x2b: {  	_ =	swait.ge [sflag:s29], $0x1  }
0x2c: {  	[sflag:s29] =	ssyncadd.s32 $0xFFFFFFFF  }
0x2d: {  	_ =	strace $0x9000004B  }
0x2e: {  	_ =	sfence  }
0x2f: {  	s30 =	sld [smem:$0x0];
	_ =	sdelay $0x2  }
0x30: {  	s31 =	sshll.u32 s1, $0xD;
	s1 =	sshrl.u32 s1, $0x2  }
0x31: {  	s3 =	sand.u32 $0x4000, s31;
	s1 =	sadd.s32 s1, s30  }
0x32: {  	s0 =	sor.u32 s3, s0;
	s1 =	sshll.u32 s1, $0x11  }
0x33: {  	s0 =	sor.u32 s1, s0  }
0x34: {  	s0 =	sadd.s32 $0x8F2B, s0  }
0x35: {  	[sflag:s0] =	ssyncadd.remote.s32 $0x1  }
0x36: {  	_ =	sfence.sel $0xFFFF  }
0x37: {  	[dreg:$0x0] =	wrdreg $0xFFFFFFFF;
	(pc) =	sbr.abs _section_cstart, $3  }
0x38: {  	[dreg:$0x1] =	wrdreg $0xFFFFFFFF  }
0x39: {  	_ =	task.clear_ibuf [dreg:s7], $0x2FFFF;
	_ =	strace $0x9FFFFFFF  }
0x3a: {  	(tm) =	ssettm $0x7FFFFFFF  }
0x3b: {  	_ =	shalt  }
tec
execute0_lowered:
.L_overlay_start_1:
0x0: {  	(tag) =	ssettag $0x1  }
0x1: {  	s1 =	srdreg.scid  }
0x2: {  	s0 =	stileid.u32;
	s8 =	rddreg [dreg:$0x0]  }
0x3: {  	s2 =	rddreg [dreg:$0x1];
	s7 =	simm.s32 $0x1;
	s1 =	sshll.u32 s1, $0x4  }
0x4: {  	s9 =	simm.s32 $0x2;
	s15 =	simm.s32 $0x0;
	s1 =	sor.u32 s0, s1  }
0x5: {  	s10 =	simm.s32 $0x4000;
	s16 =	simm.s32 $0x0;
	s1 =	sshrl.u32 s1, $0x2  }
0x6: {  	s17 =	simm.s32 $0x0;
	s11 =	simm.s32 $0x0;
	s3 =	sand.u32 $0x6, s1  }
0x7: {  	s14 =	simm.s32 $0x0;
	s4 =	sadd.s32 $0x800, s8;
	s6 =	ssub.s32 $0x20, s3  }
0x8: {  	s8 =	sadd.s32 $0x8800, s8;
	s1 =	rddreg [dreg:$0x2];
	s5 =	sand.u32 $0x6, s6  }
.Ltmp0:
0x9: {  	_ =	strace $0x8000004A;
	p0 =	sne.s32 s5, $0x0;
	(pc) =	sbr.rel .LBB1_1-.Ltmp0, $4  }
0xa: {  	s6 =	sshrl.u32 s6, $0x3;
	s5 =	simm.s32 $0x1;
	s7 =	simm.s32 @!p0 $0x0  }
0xb: {  	s12 =	smov.u32 s3;
	[sflag:s5] =	ssyncpa.u1 $0x0;
	s7 =	sadd.s32 s7, s6  }
0xc: {  	p0 =	por $0x0, $0x0;
	s6 =	sand.u32 $0x7, s0;
	s7 =	sshll.u32 s7, $0x4  }
0xd: {  	[sflag:s9] =	ssyncpa.u1 $0x0;
	s13 =	smov.u32 s6;
	s9 =	sor.u32 $0x1, s7  }
.LBB1_7:
0xe: {  	s18 =	sadd.s32 $0x80, s11  }
0xf: {  	s15 =	sadd.s32 $0x8, s12;
	s19 =	smov.u32 s12;
	p2 =	sgt.s32 s18, $0x7FF  }
0x10: {  	s19 =	smov.u32 @p2 s15  }
0x11: {  	s21 =	smov.u32 s13;
	s15 =	sadd.s32 $0x8, s13;
	p3 =	sgt.s32 s19, $0x1F  }
0x12: {  	s21 =	smov.u32 @p3 s15  }
0x13: {  	s18 =	simm.s32 @p2 $0x0;
	p2 =	sgt.s32 s21, $0x7  }
0x14: {  	p1 =	slt.u32 s14, $0x2;
	s21 =	smov.u32 @p2 s6;
	p2 =	sne.s32 s14, s9  }
.Ltmp1:
0x15: {  	s20 =	simm.s32 @!p1 $0x2;
	(pc) =	sbr.rel @!p2 .LBB1_8-.Ltmp1, $4  }
0x16: {  	s16 =	smov.u32 s12;
	s17 =	smov.u32 s13;
	_ =	swait.ge @!p1 [sflag:s20], $0x4000  }
0x17: {  	p0 =	por !p0, !p0;
	[sflag:s20] =	ssyncset.done @!p1 $0x0;
	s19 =	smov.u32 @p3 s3  }
0x18: {  	s15 =	smov.u32 s11;
	[sflag:s20] =	ssyncadd.s32 @!p1 $0xFFFFC000;
	s11 =	smov.u32 s18  }
0x19: {  	s12 =	smov.u32 s19;
	s14 =	sadd.s32 $0x1, s14;
	s13 =	smov.u32 s21  }
.LBB1_1:
0x1a: {  	p1 =	sge.u32 s14, s7  }
0x1b: {  	s18 =	sxor.u32 @!p1 $0xFFFFFFFF, s14;
	s19 =	sshll.u32 @!p1 s13, $0x14  }
0x1c: {  	s20 =	sshll.u32 @!p1 s12, $0xF;
	s22 =	sshll.u32 @!p1 s11, $0x4;
	s23 =	simm.s32 @!p1 $0x40  }
0x1d: {  	s24 =	simm.s32 @!p1 $0x80;
	s18 =	sshll.u32 @!p1 s18, $0xE;
	s21 =	sadd.s32 @!p1 s19, s20  }
0x1e: {  	s22 =	sand.u32 @!p1 $0x7FF0, s22;
	s19 =	sadd.s32 @!p1 s19, s8;
	s21 =	sadd.s32 @!p1 s4, s21  }
0x1f: {  	s18 =	sand.u32 @!p1 $0x4000, s18;
	s19 =	sadd.s32 @!p1 s20, s19;
	s21 =	sadd.s32 @!p1 s22, s21  }
0x20: {  	[tilespmem:s18], [sflag:$0x1] =	stream.strided.gather @!p1 [hbm4b:s21+s23], $0x2000, s24, s23, $0x38;
	[tilespmem:$0x10100] =	vst v63  }
0x21: {  	s31 =	sadd.s32 $0xFFFFFFFF, s14;
	s19 =	sadd.s32 @!p1 s22, s19;
	s18 =	sor.u32 @!p1 $0x2000, s18  }
0x22: {  	[tilespmem:s18], [sflag:$0x1] =	stream.strided.gather @!p1 [hbm4b:s19+s23], $0x2000, s24, s23, $0x38;
	[tilespmem:$0x10100] =	vst v63  }
0x23: {  	p1 =	sge.u32 s31, s7  }
.Ltmp2:
0x24: {  	_ = 	snop;
	(pc) =	sbr.rel @p1 .LBB1_7-.Ltmp2, $1  }
0x25: {  	_ =	sdelay $0x3  }
0x26: {  	s18 =	simm.s32 $0x1;
	s20 =	sand.u32 $0x1, s14  }
0x27: {  	_ =	swait.ge [sflag:s5], $0x4000;
	s18 =	simm.s32 @!p0 $0x0;
	s20 =	smul.u32 $0x10200, s20  }
0x28: {  	p2 =	por $0x1, $0x1;
	[sflag:s5] =	ssyncset.done $0x0;
	s19 =	smul.u32 $0x10200, s18  }
0x29: {  	s21 =	sshll.u32 s18, $0x10;
	[sflag:s5] =	ssyncadd.s32 $0xFFFFC000;
	s30 =	sshrl.u32 s20, $0x2  }
0x2a: {  	s31 =	sshrl.u32 s21, $0x2;
	s21 =	simm.s32 $0x0;
	s19 =	sshrl.u32 s19, $0x2  }
0x2b: {  	s18 =	sor.u32 $0x8000, s30;
	s20 =	sadd.s32 $0x20, s31;
	s19 =	sor.u32 $0x8000, s19  }
.LBB1_3:
0x2c: {  	s22 =	sshll.u32 s21, $0xD  }
0x2d: {  	s22 =	sand.u32 $0x3FFFE000, s22  }
0x2e: {  	s24 =	sadd.s32 s22, s20  }
0x2f: {  	s31 =	smul.u32 $0x8100, s21;
	v3 =	vld [tilespmem:s24+$0x10]  }
0x30: {  	v1 =	vld [tilespmem:s24+$0xFFFFFFF0]  }
0x31: {  	s21 =	sshra.s32 s31, $0x2;
	v0 =	vld [tilespmem:s24+$0x0]  }
0x32: {  	s21 =	sadd.s32 s21, s19;
	v2 =	vld [tilespmem:s24+$0xFFFFFFE0]  }
0x33: {  	s22 =	sadd.s32 $0x0, s21  }
0x34: {  	p1 =	por p2, p2;
	s23 =	simm.s32 $0x4;
	s24 =	sadd.s32 $0x40, s24;
	[tilespmem:s22+$0x1830 ss:$0x81] =	vst.msk $0xffff, v3  }
.LBB1_4:
0x35: {  	v3 =	vld [tilespmem:s24+$0x10];
	p2 =	sne.s32 s23, $0x1FC;
	[tilespmem:s22+$0x810 ss:$0x81] =	vst.msk $0xffff, v1;
	s25 =	smov.u32 s23;
	s23 =	sadd.s32 $0x4, s23  }
.Ltmp3:
0x36: {  	v1 =	vld [tilespmem:s24+$0xFFFFFFF0];
	[tilespmem:s22+$0x1020 ss:$0x81] =	vst.msk $0xffff, v0;
	(pc) =	sbr.rel @p2 .LBB1_4-.Ltmp3, $4  }
0x37: {  	v0 =	vld [tilespmem:s24+$0x0];
	[tilespmem:s22+$0x0 ss:$0x81] =	vst.msk $0xffff, v2  }
0x38: {  	s22 =	sshra.s32 s25, $0x2;
	v2 =	vld [tilespmem:s24+$0xFFFFFFE0]  }
0x39: {  	s22 =	sadd.s32 s22, s21  }
0x3a: {  	s24 =	sadd.s32 $0x40, s24;
	[tilespmem:s22+$0x1830 ss:$0x81] =	vst.msk $0xffff, v3  }
.Ltmp4:
0x3b: {  	(pc) =	sbr.rel @p1 .LBB1_3-.Ltmp4, $4  }
0x3c: {  	_ = 	snop  }
0x3d: {  	[tilespmem:s22+$0x810 ss:$0x81] =	vst.msk $0xffff, v1  }
0x3e: {  	[tilespmem:s22+$0x1020 ss:$0x81] =	vst.msk $0xffff, v0  }
0x3f: {  	s21 =	simm.s32 $0x1;
	p2 =	por $0x0, $0x0;
	[tilespmem:s22+$0x0 ss:$0x81] =	vst.msk $0xffff, v2  }
0x40: {  	s19 =	sshll.u32 s15, $0x3;
	s20 =	sand.u32 $0x78, s15  }
0x41: {  	s17 =	sshll.u32 s17, $0x13;
	s16 =	sshll.u32 s16, $0xE;
	s29 =	sand.u32 $0x3F00, s15  }
.Ltmp5:
0x42: {  	s19 =	sand.u32 $0x400, s19;
	s17 =	sadd.s32 s2, s17;
	(pc) =	sbr.rel .LBB1_7-.Ltmp5, $4  }
0x43: {  	s30 =	sand.u32 $0x7, s15;
	s19 =	sor.u32 s20, s19;
	s16 =	sadd.s32 s16, s17  }
0x44: {  	s15 =	sshll.u32 s30, $0x12;
	s31 =	sshrl.u32 s19, $0x3;
	s16 =	sadd.s32 s29, s16  }
0x45: {  	s15 =	sor.u32 $0x400, s15;
	s16 =	sadd.s32 s31, s16  }
0x46: {  	[hbm4b:s16+s15] =	stream.strided.scatter [tilespmem:s18], [sflag:$0x2], $0x4000, s10, s15, $0x20;
	[tilespmem:$0x10100] =	vst v63  }
.LBB1_8:
0x47: {  	_ =	sfence.sel $0x180000  }
0x48: {  	s2 =	simm.s32 $0x1;
	[bflag:$0x0] =	sbarrier.arrive $0xFFFF  }
0x49: {  	s31 =	simm.s32 $0x2;
	[sflag:s2] =	ssyncpa.u1 $0x1  }
0x4a: {  	[sflag:s31] =	ssyncpa.u1 $0x1  }
0x4b: {  	p0 =	sne.s32 s0, $0x0;
	_ =	strace $0x9000004A  }
0x4c: {  	s0 =	sadd.s32 @!p0 $0x100000, s1;
	[bflag:$0x2] =	sbarrier.arrive $0xFFFF  }
0x4d: {  	[sflag:s0] =	ssyncadd.tile.s32 @!p0 $0x1;
	_ =	shalt  }
.Lfunc_end1:
_tile_overlayer_lowered:
.L_overlay_start_2:
0x4e: {  	(tag) =	ssettag $0x2  }
0x4f: {  	s0 =	rddreg [dreg:$0x0];
	s2 =	stileid.u32  }
0x50: {  	s1 =	rddreg [dreg:$0x1];
	p0 =	sne.s32 s2, $0x0  }
0x51: {  	s3 =	rddreg [dreg:$0x2];
	[bflag:$0x3] =	sbarrier.arrive $0xFFFF;
	s2 =	simm.s32 @!p0 $0x1C01  }
0x52: {  	[timem:s3], [sflag:s2] =	dma.local @!p0 [hbm:s0], s1  }
0x53: {  	s0 =	simm.s32 @!p0 $0x1  }
0x54: {  	_ =	swait.ge @!p0 [sflag:s0], s1  }
0x55: {  	s1 =	ssub.s32 @!p0 $0x0, s1;
	[sflag:s0] =	ssyncset.done @!p0 $0x0  }
0x56: {  	[sflag:s0] =	ssyncadd.s32 @!p0 s1  }
0x57: {  	[bflag:$0x3] =	sbarrier.arrive $0xFFFF  }
0x58: {  	_ =	shalt  }

</sc_bundles>
